<compile_context>
chip_gen: v7x
topology: tpu7x:2x2x1
jax: 0.10.2.dev20260603
libtpu: 0.0.44.dev20260713+nightly
codegen_flags: <defaults>
</compile_context>

<pallas_src>
import functools

import jax
import jax.numpy as jnp
from jax import lax
from jax.experimental import pallas as pl
from jax.experimental.pallas import tpu as pltpu
from jax.experimental.pallas import tpu_sc as plsc

_INPUT_DIM = 1024
_HIDDEN = 512
_ENC_DIM = 256
_K = 8192
_NBLK = 6
_B = 4096
_BT = 1024
_BTD = 1024
_KC = 8192
_NW = 32
_BPW = _B // _NW

_f32 = jnp.float32



def _ln(x, g, b):
    m = jnp.mean(x, axis=-1, keepdims=True)
    v = jnp.var(x, axis=-1, keepdims=True)
    return (x - m) / jnp.sqrt(v + 1e-5) * g + b


def _enc_mlp(p, x):
    h = _ln(x @ p['W0'] + p['b0'], p['g0'], p['be0'])
    for blk in p['blocks']:
        t = jnp.tanh(_ln(h @ blk['W'] + blk['b'], blk['g'], blk['be']))
        t = _ln(t @ blk['W'] + blk['b'], blk['g'], blk['be'])
        h = jnp.tanh(t + h)
    return h @ p['Wf'] + p['bf']



def _quant_body(zf_ref, zn_ref, en_ref, e_ref, idx_ref):
    zf = zf_ref[...]
    zn = zn_ref[...]
    best_d = jnp.full((_BT, 1), 3.0e38, _f32)
    best_i = jnp.zeros((_BT, 1), jnp.int32)
    for c in range(_K // _KC):
        ec = e_ref[c * _KC:(c + 1) * _KC, :]
        en = en_ref[:, c * _KC:(c + 1) * _KC]
        s = lax.dot_general(zf, ec, (((1,), (1,)), ((), ())),
                            preferred_element_type=_f32)
        d = 1.0 - s / (zn * en)
        cm = jnp.min(d, axis=1, keepdims=True)
        io = lax.broadcasted_iota(jnp.int32, (_BT, _KC), 1)
        ci = jnp.min(jnp.where(d == cm, io, _K), axis=1, keepdims=True) + c * _KC
        upd = cm < best_d
        best_i = jnp.where(upd, ci, best_i)
        best_d = jnp.where(upd, cm, best_d)
    idx_ref[...] = jnp.broadcast_to(best_i, (_BT, 128))


def _run_quant(z, zn, en, emb):
    def im_b(i):
        return (i, 0)

    def im_w(i):
        return (0, 0)

    idx2d = pl.pallas_call(
        _quant_body,
        grid=(_B // _BT,),
        in_specs=[
            pl.BlockSpec((_BT, _ENC_DIM), im_b),
            pl.BlockSpec((_BT, 1), im_b),
            pl.BlockSpec((1, _K), im_w),
            pl.BlockSpec((_K, _ENC_DIM), im_w),
        ],
        out_specs=pl.BlockSpec((_BT, 128), im_b),
        out_shape=jax.ShapeDtypeStruct((_B, 128), jnp.int32),
    )(z, zn, en, emb)
    return idx2d[:, 0]



def _sc_gather(emb, idx):
    mesh = plsc.VectorSubcoreMesh(core_axis_name="c", subcore_axis_name="s")

    @functools.partial(
        pl.kernel,
        mesh=mesh,
        out_type=jax.ShapeDtypeStruct((_B, _ENC_DIM), _f32),
        scratch_types=[
            pltpu.VMEM((_BPW,), jnp.int32),
            pltpu.VMEM((_BPW, _ENC_DIM), _f32),
            pltpu.SemaphoreType.DMA,
        ],
    )
    def gk(table_hbm, idx_hbm, out_hbm, idx_v, rows_v, sem):
        wid = lax.axis_index("s") * 2 + lax.axis_index("c")
        base = wid * _BPW
        pltpu.sync_copy(idx_hbm.at[pl.ds(base, _BPW)], idx_v)
        pltpu.async_copy(table_hbm.at[idx_v], rows_v, sem).wait()
        pltpu.sync_copy(rows_v, out_hbm.at[pl.ds(base, _BPW)])

    return gk(emb, idx)



def _ln_in(h, g, b):
    m = jnp.mean(h, axis=-1, keepdims=True)
    v = jnp.mean((h - m) ** 2, axis=-1, keepdims=True)
    return (h - m) / jnp.sqrt(v + 1e-5) * g + b


def _dec_body(zq_ref, z_ref, w0_ref, v0_ref, wb0, wb1, wb2, wb3, wb4, wb5,
              bb_ref, gb_ref, beb_ref, wf_ref, bf_ref, out_ref):
    zz = z_ref[...]
    h_in = zz + (zq_ref[...] - zz)
    h = jnp.dot(h_in, w0_ref[...], preferred_element_type=_f32)
    h = _ln_in(h + v0_ref[0:1, :], v0_ref[1:2, :], v0_ref[2:3, :])
    w_refs = (wb0, wb1, wb2, wb3, wb4, wb5)
    for i in range(_NBLK):
        w = w_refs[i][...]
        b = bb_ref[i:i + 1, :]
        g = gb_ref[i:i + 1, :]
        be = beb_ref[i:i + 1, :]
        t = jnp.tanh(_ln_in(jnp.dot(h, w, preferred_element_type=_f32) + b, g, be))
        t = _ln_in(jnp.dot(t, w, preferred_element_type=_f32) + b, g, be)
        h = jnp.tanh(t + h)
    out_ref[...] = jnp.dot(h, wf_ref[...], preferred_element_type=_f32) + bf_ref[...]


def _run_dec(z_q, z, dec):
    wb = [blk['W'] for blk in dec['blocks']]
    bb = jnp.stack([blk['b'] for blk in dec['blocks']])
    gb = jnp.stack([blk['g'] for blk in dec['blocks']])
    beb = jnp.stack([blk['be'] for blk in dec['blocks']])
    v0 = jnp.stack([dec['b0'], dec['g0'], dec['be0']])
    bf = dec['bf'].reshape(1, _INPUT_DIM)

    def im_b(i):
        return (i, 0)

    def im_w(i):
        return (0, 0)

    in_specs = [
        pl.BlockSpec((_BTD, _ENC_DIM), im_b),
        pl.BlockSpec((_BTD, _ENC_DIM), im_b),
        pl.BlockSpec((_ENC_DIM, _HIDDEN), im_w),
        pl.BlockSpec((3, _HIDDEN), im_w),
        *[pl.BlockSpec((_HIDDEN, _HIDDEN), im_w) for _ in range(_NBLK)],
        pl.BlockSpec((_NBLK, _HIDDEN), im_w),
        pl.BlockSpec((_NBLK, _HIDDEN), im_w),
        pl.BlockSpec((_NBLK, _HIDDEN), im_w),
        pl.BlockSpec((_HIDDEN, _INPUT_DIM), im_w),
        pl.BlockSpec((1, _INPUT_DIM), im_w),
    ]
    return pl.pallas_call(
        _dec_body,
        grid=(_B // _BTD,),
        in_specs=in_specs,
        out_specs=pl.BlockSpec((_BTD, _INPUT_DIM), im_b),
        out_shape=jax.ShapeDtypeStruct((_B, _INPUT_DIM), _f32),
    )(z_q, z, dec['W0'], v0, *wb, bb, gb, beb, dec['Wf'], bf)


def kernel(x, params):
    enc, dec, emb = params['enc'], params['dec'], params['emb']
    z = _enc_mlp(enc, x)
    zn = jnp.linalg.norm(z, axis=1, keepdims=True)
    en = jnp.linalg.norm(emb, axis=1).reshape(1, _K)
    idx = _run_quant(z, zn, en, emb)
    z_q = _sc_gather(emb, idx)
    x_recon = _run_dec(z_q, z, dec)
    return (x_recon, z, z_q, idx)

# --- scband reference (transcript-rebuilt; emitter-appended) ---
"""Pipeline reference for scband-sqae-1752346656836 (READ-ONLY COPY).

The authoritative reference and input builder live on the scoring server;
editing this copy changes nothing except your own understanding.
"""

import jax, jax.numpy as jnp
import numpy as np

INPUT_DIM = 1024
HIDDEN = 512
ENC_DIM = 256
K = 8192
NL = 8
B = 4096


def _ln(x, g, b):
    m = jnp.mean(x, axis=-1, keepdims=True)
    v = jnp.var(x, axis=-1, keepdims=True)
    return (x - m) / jnp.sqrt(v + 1e-5) * g + b


def _make_mlp(key, in_dim, hid, out_dim):
    ks = jax.random.split(key, 3)
    p = {}
    p['W0'] = jax.random.normal(ks[0], (in_dim, hid), dtype=jnp.float32) * (1.0 / np.sqrt(in_dim))
    p['b0'] = jnp.zeros((hid,), dtype=jnp.float32)
    p['g0'] = jnp.ones((hid,), dtype=jnp.float32)
    p['be0'] = jnp.zeros((hid,), dtype=jnp.float32)
    blocks = []
    for i in range(NL - 2):
        kw = jax.random.fold_in(ks[1], i)
        blocks.append({
            'W': jax.random.normal(kw, (hid, hid), dtype=jnp.float32) * (1.0 / np.sqrt(hid)),
            'b': jnp.zeros((hid,), dtype=jnp.float32),
            'g': jnp.ones((hid,), dtype=jnp.float32),
            'be': jnp.zeros((hid,), dtype=jnp.float32),
        })
    p['blocks'] = blocks
    p['Wf'] = jax.random.normal(ks[2], (hid, out_dim), dtype=jnp.float32) * (1.0 / np.sqrt(hid))
    p['bf'] = jnp.zeros((out_dim,), dtype=jnp.float32)
    return p


def setup_inputs(seed: int = 0) -> dict:
    key = jax.random.key(seed)
    k1, k2, k3, k4 = jax.random.split(key, 4)
    x = jax.random.normal(k1, (B, INPUT_DIM), dtype=jnp.float32)
    params = {
        'enc': _make_mlp(k2, INPUT_DIM, HIDDEN, ENC_DIM),
        'dec': _make_mlp(k3, ENC_DIM, HIDDEN, INPUT_DIM),
        'emb': jax.random.uniform(k4, (K, ENC_DIM), minval=-1.0 / K, maxval=1.0 / K, dtype=jnp.float32),
    }
    return {'x': x, 'params': params}


def _mlp(p, x):
    # first layer: Linear + LayerNorm (no activation, matching nn.Sequential)
    h = _ln(x @ p['W0'] + p['b0'], p['g0'], p['be0'])
    # residual blocks: fc and norm weights are SHARED within a block (module reuse)
    for blk in p['blocks']:
        t = jnp.tanh(_ln(h @ blk['W'] + blk['b'], blk['g'], blk['be']))
        t = _ln(t @ blk['W'] + blk['b'], blk['g'], blk['be'])
        h = jnp.tanh(t + h)
    return h @ p['Wf'] + p['bf']


def _quantize(z, E):
    zf = z.reshape(-1, ENC_DIM)
    zn = jnp.linalg.norm(zf, axis=1, keepdims=True)
    en = jnp.linalg.norm(E, axis=1)
    d = 1.0 - (zf @ E.T) / (zn * en)
    idx = jnp.argmin(d, axis=1)
    z_q = jnp.take(E, idx, axis=0).reshape(z.shape)
    return z_q, idx.astype(jnp.int32)


def reference(x, params):
    z = _mlp(params['enc'], x)
    z_q, idx = _quantize(z, params['emb'])
    dec_in = z + jax.lax.stop_gradient(z_q - z)
    x_recon = _mlp(params['dec'], dec_in)
    return (x_recon, z, z_q, idx)

if __name__ == "__main__":
    import jax
    _d = setup_inputs()
    print(jax.jit(kernel)(*tuple(_d.values())))

</pallas_src>

<mosaic_0001>
#map = affine_map<(d0, d1) -> (0, 0)>
#map1 = affine_map<(d0, d1) -> (0)>
module attributes {stable_mosaic.version = 14 : i64} {
  func.func @gk(%arg0: i32, %arg1: i32, %arg2: memref<8192x256xf32, #tpu.memory_space<hbm>>, %arg3: memref<4096xi32, #tpu.memory_space<hbm>>, %arg4: memref<4096x256xf32, #tpu.memory_space<hbm>>, %arg5: memref<128xi32, #tpu.memory_space<vmem>>, %arg6: memref<128x256xf32, #tpu.memory_space<vmem>>, %arg7: memref<!tpu.dma_semaphore, #tpu.memory_space<semaphore_mem>>) attributes {dimension_semantics = [#tpu.dimension_semantics<core_parallel>, #tpu.dimension_semantics<subcore_parallel>], iteration_bounds = array<i64: 2, 16>, scalar_prefetch = 0 : i64, scratch_operands = 3 : i64, tpu.core_type = #tpu.core_type<sc_vector_subcore>, window_params = [{transform_indices = #map}, {transform_indices = #map1}, {transform_indices = #map}]} {
    %mul3A = arith.constant 2 : i32
    %mul3A_0 = arith.muli %arg1, %mul3A : i32
    %add3A = arith.addi %mul3A_0, %arg0 : i32
    %mul3A_1 = arith.constant 128 : i32
    %mul3A_2 = arith.muli %add3A, %mul3A_1 : i32
    "tpu.region"() ({
      %run_scoped3A = tpu.sem_alloc : memref<!tpu.dma_semaphore, #tpu.memory_space<semaphore_mem>>
      %dma_start3A_7 = tpu.memref_slice %arg3[%mul3A_2] : memref<4096xi32, #tpu.memory_space<hbm>> -> memref<128xi32, #tpu.memory_space<hbm>>
      %dma_start3A_8 = tpu.memref_slice %arg3[%mul3A_2] : memref<4096xi32, #tpu.memory_space<hbm>> -> memref<128xi32, #tpu.memory_space<hbm>>
      tpu.enqueue_dma source(%dma_start3A_8 : memref<128xi32, #tpu.memory_space<hbm>>) target(%arg5 : memref<128xi32, #tpu.memory_space<vmem>>) target_semaphore(%run_scoped3A : memref<!tpu.dma_semaphore, #tpu.memory_space<semaphore_mem>>)
      %dma_wait3A_9 = tpu.memref_slice %arg3[%mul3A_2] : memref<4096xi32, #tpu.memory_space<hbm>> -> memref<128xi32, #tpu.memory_space<hbm>>
      %dma_wait3A_10 = tpu.memref_slice %arg3[%mul3A_2] : memref<4096xi32, #tpu.memory_space<hbm>> -> memref<128xi32, #tpu.memory_space<hbm>>
      tpu.wait_dma2 semaphore(%run_scoped3A : memref<!tpu.dma_semaphore, #tpu.memory_space<semaphore_mem>>) src(%dma_wait3A_10 : memref<128xi32, #tpu.memory_space<hbm>>) dst(%arg5 : memref<128xi32, #tpu.memory_space<vmem>>)
      tpu.yield
    }) : () -> ()
    %dma_start3A = arith.constant 0 : i32
    %dma_start3A_3 = arith.constant 0 : i32
    %dma_start3A_4 = tpu.memref_slice %arg2[%dma_start3A, %dma_start3A_3] : memref<8192x256xf32, #tpu.memory_space<hbm>> -> memref<8192x256xf32, #tpu.memory_space<hbm>>
    tpu.enqueue_indirect_dma source(%dma_start3A_4 : memref<8192x256xf32, #tpu.memory_space<hbm>>) target(%arg6 : memref<128x256xf32, #tpu.memory_space<vmem>>) offsets(%arg5 : memref<128xi32, #tpu.memory_space<vmem>>) semaphore(%arg7 : memref<!tpu.dma_semaphore, #tpu.memory_space<semaphore_mem>>)
    %dma_wait3A = arith.constant 0 : i32
    %dma_wait3A_5 = arith.constant 0 : i32
    %dma_wait3A_6 = tpu.memref_slice %arg2[%dma_wait3A, %dma_wait3A_5] : memref<8192x256xf32, #tpu.memory_space<hbm>> -> memref<8192x256xf32, #tpu.memory_space<hbm>>
    tpu.wait_indirect_dma semaphore(%arg7 : memref<!tpu.dma_semaphore, #tpu.memory_space<semaphore_mem>>) src(%dma_wait3A_6 : memref<8192x256xf32, #tpu.memory_space<hbm>>) dst(%arg6 : memref<128x256xf32, #tpu.memory_space<vmem>>)
    "tpu.region"() ({
      %run_scoped3A = tpu.sem_alloc : memref<!tpu.dma_semaphore, #tpu.memory_space<semaphore_mem>>
      %dma_start3A_7 = arith.constant 0 : i32
      %dma_start3A_8 = tpu.memref_slice %arg4[%mul3A_2, %dma_start3A_7] : memref<4096x256xf32, #tpu.memory_space<hbm>> -> memref<128x256xf32, #tpu.memory_space<hbm>>
      %dma_start3A_9 = arith.constant 0 : i32
      %dma_start3A_10 = tpu.memref_slice %arg4[%mul3A_2, %dma_start3A_9] : memref<4096x256xf32, #tpu.memory_space<hbm>> -> memref<128x256xf32, #tpu.memory_space<hbm>>
      tpu.enqueue_dma source(%arg6 : memref<128x256xf32, #tpu.memory_space<vmem>>) target(%dma_start3A_10 : memref<128x256xf32, #tpu.memory_space<hbm>>) target_semaphore(%run_scoped3A : memref<!tpu.dma_semaphore, #tpu.memory_space<semaphore_mem>>)
      %dma_wait3A_11 = arith.constant 0 : i32
      %dma_wait3A_12 = tpu.memref_slice %arg4[%mul3A_2, %dma_wait3A_11] : memref<4096x256xf32, #tpu.memory_space<hbm>> -> memref<128x256xf32, #tpu.memory_space<hbm>>
      %dma_wait3A_13 = arith.constant 0 : i32
      %dma_wait3A_14 = tpu.memref_slice %arg4[%mul3A_2, %dma_wait3A_13] : memref<4096x256xf32, #tpu.memory_space<hbm>> -> memref<128x256xf32, #tpu.memory_space<hbm>>
      tpu.wait_dma2 semaphore(%run_scoped3A : memref<!tpu.dma_semaphore, #tpu.memory_space<semaphore_mem>>) src(%arg6 : memref<128x256xf32, #tpu.memory_space<vmem>>) dst(%dma_wait3A_14 : memref<128x256xf32, #tpu.memory_space<hbm>>)
      tpu.yield
    }) : () -> ()
    return
  }
}

module attributes {stable_mosaic.version = 14 : i64} {
  func.func @_quant_body(%arg0: i32, %arg1: memref<1024x256xf32, #tpu.memory_space<vmem>>, %arg2: memref<1024x1xf32, #tpu.memory_space<vmem>>, %arg3: memref<1x8192xf32, #tpu.memory_space<vmem>>, %arg4: memref<8192x256xf32, #tpu.memory_space<vmem>>, %arg5: memref<1024x128xi32, #tpu.memory_space<vmem>>) attributes {dimension_semantics = [#tpu.dimension_semantics<arbitrary>], iteration_bounds = array<i64: 4>, scalar_prefetch = 0 : i64, scratch_operands = 0 : i64, tpu.core_type = #tpu.core_type<tc>, window_params = [{transform_indices = @transform_0, window_bounds = array<i64: 1024, 256>}, {transform_indices = @transform_1, window_bounds = array<i64: 1024, 1>}, {pipeline_mode = #tpu.pipeline_mode<synchronous>, transform_indices = @transform_2, window_bounds = array<i64: 1, 8192>}, {pipeline_mode = #tpu.pipeline_mode<synchronous>, transform_indices = @transform_3, window_bounds = array<i64: 8192, 256>}, {transform_indices = @transform_4, window_bounds = array<i64: 1024, 128>}]} {
    %get3A = arith.constant 0 : index
    %get3A_0 = arith.constant 0 : index
    %get3A_1 = vector.load %arg1[%get3A, %get3A_0] : memref<1024x256xf32, #tpu.memory_space<vmem>>, vector<1024x256xf32>
    %get3A_2 = arith.constant 0 : index
    %get3A_3 = arith.constant 0 : index
    %get3A_4 = vector.load %arg2[%get3A_2, %get3A_3] : memref<1024x1xf32, #tpu.memory_space<vmem>>, vector<1024x1xf32>
    %broadcast_in_dim3A = arith.constant 3.000000e+38 : f32
    %broadcast_in_dim3A_5 = vector.broadcast %broadcast_in_dim3A : f32 to vector<1024x1xf32>
    %broadcast_in_dim3A_6 = arith.constant 0 : i32
    %broadcast_in_dim3A_7 = vector.broadcast %broadcast_in_dim3A_6 : i32 to vector<1024x1xi32>
    %get3A_8 = arith.constant 0 : index
    %get3A_9 = arith.constant 0 : index
    %get3A_10 = vector.load %arg4[%get3A_8, %get3A_9] : memref<8192x256xf32, #tpu.memory_space<vmem>>, vector<8192x256xf32>
    %get3A_11 = arith.constant 0 : index
    %get3A_12 = arith.constant 0 : index
    %get3A_13 = vector.load %arg3[%get3A_11, %get3A_12] : memref<1x8192xf32, #tpu.memory_space<vmem>>, vector<1x8192xf32>
    %dot_general3A = arith.constant dense<0.000000e+00> : vector<1024x8192xf32>
    %dot_general3A_14 = tpu.matmul %get3A_1, %get3A_10, %dot_general3A {dimension_numbers = #tpu.dot_dimension_numbers<[1], [1], [0], [0], [0, 0, 1, 0], [], []>, transpose_lhs_hint = false} : vector<1024x256xf32>, vector<8192x256xf32>, vector<1024x8192xf32> -> vector<1024x8192xf32>
    %mul3A = vector.broadcast %get3A_4 : vector<1024x1xf32> to vector<1024x8192xf32>
    %mul3A_15 = vector.broadcast %get3A_13 : vector<1x8192xf32> to vector<1024x8192xf32>
    %mul3A_16 = arith.mulf %mul3A, %mul3A_15 : vector<1024x8192xf32>
    %div3A = arith.divf %dot_general3A_14, %mul3A_16 : vector<1024x8192xf32>
    %sub3A = arith.constant 1.000000e+00 : f32
    %sub3A_17 = vector.broadcast %sub3A : f32 to vector<1024x8192xf32>
    %sub3A_18 = arith.subf %sub3A_17, %div3A : vector<1024x8192xf32>
    %reduce_min3A = arith.constant dense<0x7F800000> : vector<1024xf32>
    %reduce_min3A_19 = vector.multi_reduction <minimumf>, %sub3A_18, %reduce_min3A [1] : vector<1024x8192xf32> to vector<1024xf32>
    %broadcast_in_dim3A_20 = vector.shape_cast %reduce_min3A_19 : vector<1024xf32> to vector<1024x1xf32>
    %iota3A = tpu.iota {dimensions = array<i32: 1>} : vector<1024x8192xi32>
    %eq3A = vector.broadcast %broadcast_in_dim3A_20 : vector<1024x1xf32> to vector<1024x8192xf32>
    %eq3A_21 = arith.cmpf oeq, %sub3A_18, %eq3A : vector<1024x8192xf32>
    %jit3A = arith.constant 8192 : i32
    %broadcast_in_dim3A_22 = vector.broadcast %jit3A : i32 to vector<1024x8192xi32>
    %select_n3A = arith.select %eq3A_21, %iota3A, %broadcast_in_dim3A_22 : vector<1024x8192xi1>, vector<1024x8192xi32>
    %reduce_min3A_23 = arith.constant dense<2147483647> : vector<1024xi32>
    %reduce_min3A_24 = vector.multi_reduction <minsi>, %select_n3A, %reduce_min3A_23 [1] : vector<1024x8192xi32> to vector<1024xi32>
    %broadcast_in_dim3A_25 = vector.shape_cast %reduce_min3A_24 : vector<1024xi32> to vector<1024x1xi32>
    %add3A = arith.constant 0 : i32
    %add3A_26 = vector.broadcast %add3A : i32 to vector<1024x1xi32>
    %add3A_27 = arith.addi %broadcast_in_dim3A_25, %add3A_26 : vector<1024x1xi32>
    %lt3A = arith.cmpf olt, %broadcast_in_dim3A_20, %broadcast_in_dim3A_5 : vector<1024x1xf32>
    %select_n3A_28 = arith.select %lt3A, %add3A_27, %broadcast_in_dim3A_7 : vector<1024x1xi1>, vector<1024x1xi32>
    %broadcast_in_dim3A_29 = vector.shape_cast %select_n3A_28 : vector<1024x1xi32> to vector<1024x1xi32>
    %broadcast_in_dim3A_30 = vector.broadcast %broadcast_in_dim3A_29 : vector<1024x1xi32> to vector<1024x128xi32>
    %swap3A = arith.constant 0 : index
    %swap3A_31 = arith.constant 0 : index
    %swap3A_32 = vector.load %arg5[%swap3A, %swap3A_31] : memref<1024x128xi32, #tpu.memory_space<vmem>>, vector<1024x128xi32>
    tpu.vector_store %arg5[%swap3A, %swap3A_31], %broadcast_in_dim3A_30 {strides = array<i32>} : memref<1024x128xi32, #tpu.memory_space<vmem>>, vector<1024x128xi32>,
    return
  }
  func.func @transform_0(%arg0: i32) -> (i32, i32) {
    %c0_i32 = arith.constant 0 : i32
    %c0_i32_0 = arith.constant 0 : i32
    return %arg0, %c0_i32 : i32, i32
  }
  func.func @transform_1(%arg0: i32) -> (i32, i32) {
    %c0_i32 = arith.constant 0 : i32
    %c0_i32_0 = arith.constant 0 : i32
    return %arg0, %c0_i32 : i32, i32
  }
  func.func @transform_2(%arg0: i32) -> (i32, i32) {
    %c0_i32 = arith.constant 0 : i32
    %c0_i32_0 = arith.constant 0 : i32
    %c0_i32_1 = arith.constant 0 : i32
    return %c0_i32, %c0_i32_0 : i32, i32
  }
  func.func @transform_3(%arg0: i32) -> (i32, i32) {
    %c0_i32 = arith.constant 0 : i32
    %c0_i32_0 = arith.constant 0 : i32
    %c0_i32_1 = arith.constant 0 : i32
    return %c0_i32, %c0_i32_0 : i32, i32
  }
  func.func @transform_4(%arg0: i32) -> (i32, i32) {
    %c0_i32 = arith.constant 0 : i32
    %c0_i32_0 = arith.constant 0 : i32
    return %arg0, %c0_i32 : i32, i32
  }
}

module attributes {stable_mosaic.version = 14 : i64} {
  func.func @_dec_body(%arg0: i32, %arg1: memref<1024x256xf32, #tpu.memory_space<vmem>>, %arg2: memref<1024x256xf32, #tpu.memory_space<vmem>>, %arg3: memref<256x512xf32, #tpu.memory_space<vmem>>, %arg4: memref<3x512xf32, #tpu.memory_space<vmem>>, %arg5: memref<512x512xf32, #tpu.memory_space<vmem>>, %arg6: memref<512x512xf32, #tpu.memory_space<vmem>>, %arg7: memref<512x512xf32, #tpu.memory_space<vmem>>, %arg8: memref<512x512xf32, #tpu.memory_space<vmem>>, %arg9: memref<512x512xf32, #tpu.memory_space<vmem>>, %arg10: memref<512x512xf32, #tpu.memory_space<vmem>>, %arg11: memref<6x512xf32, #tpu.memory_space<vmem>>, %arg12: memref<6x512xf32, #tpu.memory_space<vmem>>, %arg13: memref<6x512xf32, #tpu.memory_space<vmem>>, %arg14: memref<512x1024xf32, #tpu.memory_space<vmem>>, %arg15: memref<1x1024xf32, #tpu.memory_space<vmem>>, %arg16: memref<1024x1024xf32, #tpu.memory_space<vmem>>) attributes {dimension_semantics = [#tpu.dimension_semantics<arbitrary>], iteration_bounds = array<i64: 4>, scalar_prefetch = 0 : i64, scratch_operands = 0 : i64, tpu.core_type = #tpu.core_type<tc>, window_params = [{transform_indices = @transform_0, window_bounds = array<i64: 1024, 256>}, {transform_indices = @transform_1, window_bounds = array<i64: 1024, 256>}, {pipeline_mode = #tpu.pipeline_mode<synchronous>, transform_indices = @transform_2, window_bounds = array<i64: 256, 512>}, {pipeline_mode = #tpu.pipeline_mode<synchronous>, transform_indices = @transform_3, window_bounds = array<i64: 3, 512>}, {pipeline_mode = #tpu.pipeline_mode<synchronous>, transform_indices = @transform_4, window_bounds = array<i64: 512, 512>}, {pipeline_mode = #tpu.pipeline_mode<synchronous>, transform_indices = @transform_5, window_bounds = array<i64: 512, 512>}, {pipeline_mode = #tpu.pipeline_mode<synchronous>, transform_indices = @transform_6, window_bounds = array<i64: 512, 512>}, {pipeline_mode = #tpu.pipeline_mode<synchronous>, transform_indices = @transform_7, window_bounds = array<i64: 512, 512>}, {pipeline_mode = #tpu.pipeline_mode<synchronous>, transform_indices = @transform_8, window_bounds = array<i64: 512, 512>}, {pipeline_mode = #tpu.pipeline_mode<synchronous>, transform_indices = @transform_9, window_bounds = array<i64: 512, 512>}, {pipeline_mode = #tpu.pipeline_mode<synchronous>, transform_indices = @transform_10, window_bounds = array<i64: 6, 512>}, {pipeline_mode = #tpu.pipeline_mode<synchronous>, transform_indices = @transform_11, window_bounds = array<i64: 6, 512>}, {pipeline_mode = #tpu.pipeline_mode<synchronous>, transform_indices = @transform_12, window_bounds = array<i64: 6, 512>}, {pipeline_mode = #tpu.pipeline_mode<synchronous>, transform_indices = @transform_13, window_bounds = array<i64: 512, 1024>}, {pipeline_mode = #tpu.pipeline_mode<synchronous>, transform_indices = @transform_14, window_bounds = array<i64: 1, 1024>}, {transform_indices = @transform_15, window_bounds = array<i64: 1024, 1024>}]} {
    %get3A = arith.constant 0 : index
    %get3A_0 = arith.constant 0 : index
    %get3A_1 = vector.load %arg2[%get3A, %get3A_0] : memref<1024x256xf32, #tpu.memory_space<vmem>>, vector<1024x256xf32>
    %get3A_2 = arith.constant 0 : index
    %get3A_3 = arith.constant 0 : index
    %get3A_4 = vector.load %arg1[%get3A_2, %get3A_3] : memref<1024x256xf32, #tpu.memory_space<vmem>>, vector<1024x256xf32>
    %sub3A = arith.subf %get3A_4, %get3A_1 : vector<1024x256xf32>
    %add3A = arith.addf %get3A_1, %sub3A : vector<1024x256xf32>
    %get3A_5 = arith.constant 0 : index
    %get3A_6 = arith.constant 0 : index
    %get3A_7 = vector.load %arg3[%get3A_5, %get3A_6] : memref<256x512xf32, #tpu.memory_space<vmem>>, vector<256x512xf32>
    %dot_general3A = arith.constant dense<0.000000e+00> : vector<1024x512xf32>
    %dot_general3A_8 = tpu.matmul %add3A, %get3A_7, %dot_general3A {dimension_numbers = #tpu.dot_dimension_numbers<[1], [0], [0], [1], [0, 0, 1, 1], [], []>, transpose_lhs_hint = false} : vector<1024x256xf32>, vector<256x512xf32>, vector<1024x512xf32> -> vector<1024x512xf32>
    %get3A_9 = arith.constant 0 : index
    %get3A_10 = arith.constant 0 : index
    %get3A_11 = vector.load %arg4[%get3A_9, %get3A_10] : memref<3x512xf32, #tpu.memory_space<vmem>>, vector<1x512xf32>
    %add3A_12 = vector.broadcast %get3A_11 : vector<1x512xf32> to vector<1024x512xf32>
    %add3A_13 = arith.addf %dot_general3A_8, %add3A_12 : vector<1024x512xf32>
    %get3A_14 = arith.constant 1 : index
    %get3A_15 = arith.constant 0 : index
    %get3A_16 = vector.load %arg4[%get3A_14, %get3A_15] : memref<3x512xf32, #tpu.memory_space<vmem>>, vector<1x512xf32>
    %get3A_17 = arith.constant 2 : index
    %get3A_18 = arith.constant 0 : index
    %get3A_19 = vector.load %arg4[%get3A_17, %get3A_18] : memref<3x512xf32, #tpu.memory_space<vmem>>, vector<1x512xf32>
    %reduce_sum3A = arith.constant dense<0.000000e+00> : vector<1024xf32>
    %reduce_sum3A_20 = vector.multi_reduction <add>, %add3A_13, %reduce_sum3A [1] : vector<1024x512xf32> to vector<1024xf32>
    %broadcast_in_dim3A = vector.shape_cast %reduce_sum3A_20 : vector<1024xf32> to vector<1024x1xf32>
    %div3A = arith.constant 5.120000e+02 : f32
    %div3A_21 = vector.broadcast %div3A : f32 to vector<1024x1xf32>
    %div3A_22 = arith.divf %broadcast_in_dim3A, %div3A_21 : vector<1024x1xf32>
    %sub3A_23 = vector.broadcast %div3A_22 : vector<1024x1xf32> to vector<1024x512xf32>
    %sub3A_24 = arith.subf %add3A_13, %sub3A_23 : vector<1024x512xf32>
    %integer_pow3A = arith.mulf %sub3A_24, %sub3A_24 : vector<1024x512xf32>
    %reduce_sum3A_25 = arith.constant dense<0.000000e+00> : vector<1024xf32>
    %reduce_sum3A_26 = vector.multi_reduction <add>, %integer_pow3A, %reduce_sum3A_25 [1] : vector<1024x512xf32> to vector<1024xf32>
    %broadcast_in_dim3A_27 = vector.shape_cast %reduce_sum3A_26 : vector<1024xf32> to vector<1024x1xf32>
    %div3A_28 = arith.constant 5.120000e+02 : f32
    %div3A_29 = vector.broadcast %div3A_28 : f32 to vector<1024x1xf32>
    %div3A_30 = arith.divf %broadcast_in_dim3A_27, %div3A_29 : vector<1024x1xf32>
    %sub3A_31 = vector.broadcast %div3A_22 : vector<1024x1xf32> to vector<1024x512xf32>
    %sub3A_32 = arith.subf %add3A_13, %sub3A_31 : vector<1024x512xf32>
    %add3A_33 = arith.constant 9.99999974E-6 : f32
    %add3A_34 = vector.broadcast %add3A_33 : f32 to vector<1024x1xf32>
    %add3A_35 = arith.addf %div3A_30, %add3A_34 : vector<1024x1xf32>
    %sqrt3A = math.sqrt %add3A_35 : vector<1024x1xf32>
    %div3A_36 = vector.broadcast %sqrt3A : vector<1024x1xf32> to vector<1024x512xf32>
    %div3A_37 = arith.divf %sub3A_32, %div3A_36 : vector<1024x512xf32>
    %mul3A = vector.broadcast %get3A_16 : vector<1x512xf32> to vector<1024x512xf32>
    %mul3A_38 = arith.mulf %div3A_37, %mul3A : vector<1024x512xf32>
    %add3A_39 = vector.broadcast %get3A_19 : vector<1x512xf32> to vector<1024x512xf32>
    %add3A_40 = arith.addf %mul3A_38, %add3A_39 : vector<1024x512xf32>
    %get3A_41 = arith.constant 0 : index
    %get3A_42 = arith.constant 0 : index
    %get3A_43 = vector.load %arg5[%get3A_41, %get3A_42] : memref<512x512xf32, #tpu.memory_space<vmem>>, vector<512x512xf32>
    %get3A_44 = arith.constant 0 : index
    %get3A_45 = arith.constant 0 : index
    %get3A_46 = vector.load %arg11[%get3A_44, %get3A_45] : memref<6x512xf32, #tpu.memory_space<vmem>>, vector<1x512xf32>
    %get3A_47 = arith.constant 0 : index
    %get3A_48 = arith.constant 0 : index
    %get3A_49 = vector.load %arg12[%get3A_47, %get3A_48] : memref<6x512xf32, #tpu.memory_space<vmem>>, vector<1x512xf32>
    %get3A_50 = arith.constant 0 : index
    %get3A_51 = arith.constant 0 : index
    %get3A_52 = vector.load %arg13[%get3A_50, %get3A_51] : memref<6x512xf32, #tpu.memory_space<vmem>>, vector<1x512xf32>
    %dot_general3A_53 = arith.constant dense<0.000000e+00> : vector<1024x512xf32>
    %dot_general3A_54 = tpu.matmul %add3A_40, %get3A_43, %dot_general3A_53 {dimension_numbers = #tpu.dot_dimension_numbers<[1], [0], [0], [1], [0, 0, 1, 1], [], []>, transpose_lhs_hint = false} : vector<1024x512xf32>, vector<512x512xf32>, vector<1024x512xf32> -> vector<1024x512xf32>
    %add3A_55 = vector.broadcast %get3A_46 : vector<1x512xf32> to vector<1024x512xf32>
    %add3A_56 = arith.addf %dot_general3A_54, %add3A_55 : vector<1024x512xf32>
    %reduce_sum3A_57 = arith.constant dense<0.000000e+00> : vector<1024xf32>
    %reduce_sum3A_58 = vector.multi_reduction <add>, %add3A_56, %reduce_sum3A_57 [1] : vector<1024x512xf32> to vector<1024xf32>
    %broadcast_in_dim3A_59 = vector.shape_cast %reduce_sum3A_58 : vector<1024xf32> to vector<1024x1xf32>
    %div3A_60 = arith.constant 5.120000e+02 : f32
    %div3A_61 = vector.broadcast %div3A_60 : f32 to vector<1024x1xf32>
    %div3A_62 = arith.divf %broadcast_in_dim3A_59, %div3A_61 : vector<1024x1xf32>
    %sub3A_63 = vector.broadcast %div3A_62 : vector<1024x1xf32> to vector<1024x512xf32>
    %sub3A_64 = arith.subf %add3A_56, %sub3A_63 : vector<1024x512xf32>
    %integer_pow3A_65 = arith.mulf %sub3A_64, %sub3A_64 : vector<1024x512xf32>
    %reduce_sum3A_66 = arith.constant dense<0.000000e+00> : vector<1024xf32>
    %reduce_sum3A_67 = vector.multi_reduction <add>, %integer_pow3A_65, %reduce_sum3A_66 [1] : vector<1024x512xf32> to vector<1024xf32>
    %broadcast_in_dim3A_68 = vector.shape_cast %reduce_sum3A_67 : vector<1024xf32> to vector<1024x1xf32>
    %div3A_69 = arith.constant 5.120000e+02 : f32
    %div3A_70 = vector.broadcast %div3A_69 : f32 to vector<1024x1xf32>
    %div3A_71 = arith.divf %broadcast_in_dim3A_68, %div3A_70 : vector<1024x1xf32>
    %sub3A_72 = vector.broadcast %div3A_62 : vector<1024x1xf32> to vector<1024x512xf32>
    %sub3A_73 = arith.subf %add3A_56, %sub3A_72 : vector<1024x512xf32>
    %add3A_74 = arith.constant 9.99999974E-6 : f32
    %add3A_75 = vector.broadcast %add3A_74 : f32 to vector<1024x1xf32>
    %add3A_76 = arith.addf %div3A_71, %add3A_75 : vector<1024x1xf32>
    %sqrt3A_77 = math.sqrt %add3A_76 : vector<1024x1xf32>
    %div3A_78 = vector.broadcast %sqrt3A_77 : vector<1024x1xf32> to vector<1024x512xf32>
    %div3A_79 = arith.divf %sub3A_73, %div3A_78 : vector<1024x512xf32>
    %mul3A_80 = vector.broadcast %get3A_49 : vector<1x512xf32> to vector<1024x512xf32>
    %mul3A_81 = arith.mulf %div3A_79, %mul3A_80 : vector<1024x512xf32>
    %add3A_82 = vector.broadcast %get3A_52 : vector<1x512xf32> to vector<1024x512xf32>
    %add3A_83 = arith.addf %mul3A_81, %add3A_82 : vector<1024x512xf32>
    %tanh3A = math.tanh %add3A_83 : vector<1024x512xf32>
    %dot_general3A_84 = arith.constant dense<0.000000e+00> : vector<1024x512xf32>
    %dot_general3A_85 = tpu.matmul %tanh3A, %get3A_43, %dot_general3A_84 {dimension_numbers = #tpu.dot_dimension_numbers<[1], [0], [0], [1], [0, 0, 1, 1], [], []>, transpose_lhs_hint = false} : vector<1024x512xf32>, vector<512x512xf32>, vector<1024x512xf32> -> vector<1024x512xf32>
    %add3A_86 = vector.broadcast %get3A_46 : vector<1x512xf32> to vector<1024x512xf32>
    %add3A_87 = arith.addf %dot_general3A_85, %add3A_86 : vector<1024x512xf32>
    %reduce_sum3A_88 = arith.constant dense<0.000000e+00> : vector<1024xf32>
    %reduce_sum3A_89 = vector.multi_reduction <add>, %add3A_87, %reduce_sum3A_88 [1] : vector<1024x512xf32> to vector<1024xf32>
    %broadcast_in_dim3A_90 = vector.shape_cast %reduce_sum3A_89 : vector<1024xf32> to vector<1024x1xf32>
    %div3A_91 = arith.constant 5.120000e+02 : f32
    %div3A_92 = vector.broadcast %div3A_91 : f32 to vector<1024x1xf32>
    %div3A_93 = arith.divf %broadcast_in_dim3A_90, %div3A_92 : vector<1024x1xf32>
    %sub3A_94 = vector.broadcast %div3A_93 : vector<1024x1xf32> to vector<1024x512xf32>
    %sub3A_95 = arith.subf %add3A_87, %sub3A_94 : vector<1024x512xf32>
    %integer_pow3A_96 = arith.mulf %sub3A_95, %sub3A_95 : vector<1024x512xf32>
    %reduce_sum3A_97 = arith.constant dense<0.000000e+00> : vector<1024xf32>
    %reduce_sum3A_98 = vector.multi_reduction <add>, %integer_pow3A_96, %reduce_sum3A_97 [1] : vector<1024x512xf32> to vector<1024xf32>
    %broadcast_in_dim3A_99 = vector.shape_cast %reduce_sum3A_98 : vector<1024xf32> to vector<1024x1xf32>
    %div3A_100 = arith.constant 5.120000e+02 : f32
    %div3A_101 = vector.broadcast %div3A_100 : f32 to vector<1024x1xf32>
    %div3A_102 = arith.divf %broadcast_in_dim3A_99, %div3A_101 : vector<1024x1xf32>
    %sub3A_103 = vector.broadcast %div3A_93 : vector<1024x1xf32> to vector<1024x512xf32>
    %sub3A_104 = arith.subf %add3A_87, %sub3A_103 : vector<1024x512xf32>
    %add3A_105 = arith.constant 9.99999974E-6 : f32
    %add3A_106 = vector.broadcast %add3A_105 : f32 to vector<1024x1xf32>
    %add3A_107 = arith.addf %div3A_102, %add3A_106 : vector<1024x1xf32>
    %sqrt3A_108 = math.sqrt %add3A_107 : vector<1024x1xf32>
    %div3A_109 = vector.broadcast %sqrt3A_108 : vector<1024x1xf32> to vector<1024x512xf32>
    %div3A_110 = arith.divf %sub3A_104, %div3A_109 : vector<1024x512xf32>
    %mul3A_111 = vector.broadcast %get3A_49 : vector<1x512xf32> to vector<1024x512xf32>
    %mul3A_112 = arith.mulf %div3A_110, %mul3A_111 : vector<1024x512xf32>
    %add3A_113 = vector.broadcast %get3A_52 : vector<1x512xf32> to vector<1024x512xf32>
    %add3A_114 = arith.addf %mul3A_112, %add3A_113 : vector<1024x512xf32>
    %add3A_115 = arith.addf %add3A_114, %add3A_40 : vector<1024x512xf32>
    %tanh3A_116 = math.tanh %add3A_115 : vector<1024x512xf32>
    %get3A_117 = arith.constant 0 : index
    %get3A_118 = arith.constant 0 : index
    %get3A_119 = vector.load %arg6[%get3A_117, %get3A_118] : memref<512x512xf32, #tpu.memory_space<vmem>>, vector<512x512xf32>
    %get3A_120 = arith.constant 1 : index
    %get3A_121 = arith.constant 0 : index
    %get3A_122 = vector.load %arg11[%get3A_120, %get3A_121] : memref<6x512xf32, #tpu.memory_space<vmem>>, vector<1x512xf32>
    %get3A_123 = arith.constant 1 : index
    %get3A_124 = arith.constant 0 : index
    %get3A_125 = vector.load %arg12[%get3A_123, %get3A_124] : memref<6x512xf32, #tpu.memory_space<vmem>>, vector<1x512xf32>
    %get3A_126 = arith.constant 1 : index
    %get3A_127 = arith.constant 0 : index
    %get3A_128 = vector.load %arg13[%get3A_126, %get3A_127] : memref<6x512xf32, #tpu.memory_space<vmem>>, vector<1x512xf32>
    %dot_general3A_129 = arith.constant dense<0.000000e+00> : vector<1024x512xf32>
    %dot_general3A_130 = tpu.matmul %tanh3A_116, %get3A_119, %dot_general3A_129 {dimension_numbers = #tpu.dot_dimension_numbers<[1], [0], [0], [1], [0, 0, 1, 1], [], []>, transpose_lhs_hint = false} : vector<1024x512xf32>, vector<512x512xf32>, vector<1024x512xf32> -> vector<1024x512xf32>
    %add3A_131 = vector.broadcast %get3A_122 : vector<1x512xf32> to vector<1024x512xf32>
    %add3A_132 = arith.addf %dot_general3A_130, %add3A_131 : vector<1024x512xf32>
    %reduce_sum3A_133 = arith.constant dense<0.000000e+00> : vector<1024xf32>
    %reduce_sum3A_134 = vector.multi_reduction <add>, %add3A_132, %reduce_sum3A_133 [1] : vector<1024x512xf32> to vector<1024xf32>
    %broadcast_in_dim3A_135 = vector.shape_cast %reduce_sum3A_134 : vector<1024xf32> to vector<1024x1xf32>
    %div3A_136 = arith.constant 5.120000e+02 : f32
    %div3A_137 = vector.broadcast %div3A_136 : f32 to vector<1024x1xf32>
    %div3A_138 = arith.divf %broadcast_in_dim3A_135, %div3A_137 : vector<1024x1xf32>
    %sub3A_139 = vector.broadcast %div3A_138 : vector<1024x1xf32> to vector<1024x512xf32>
    %sub3A_140 = arith.subf %add3A_132, %sub3A_139 : vector<1024x512xf32>
    %integer_pow3A_141 = arith.mulf %sub3A_140, %sub3A_140 : vector<1024x512xf32>
    %reduce_sum3A_142 = arith.constant dense<0.000000e+00> : vector<1024xf32>
    %reduce_sum3A_143 = vector.multi_reduction <add>, %integer_pow3A_141, %reduce_sum3A_142 [1] : vector<1024x512xf32> to vector<1024xf32>
    %broadcast_in_dim3A_144 = vector.shape_cast %reduce_sum3A_143 : vector<1024xf32> to vector<1024x1xf32>
    %div3A_145 = arith.constant 5.120000e+02 : f32
    %div3A_146 = vector.broadcast %div3A_145 : f32 to vector<1024x1xf32>
    %div3A_147 = arith.divf %broadcast_in_dim3A_144, %div3A_146 : vector<1024x1xf32>
    %sub3A_148 = vector.broadcast %div3A_138 : vector<1024x1xf32> to vector<1024x512xf32>
    %sub3A_149 = arith.subf %add3A_132, %sub3A_148 : vector<1024x512xf32>
    %add3A_150 = arith.constant 9.99999974E-6 : f32
    %add3A_151 = vector.broadcast %add3A_150 : f32 to vector<1024x1xf32>
    %add3A_152 = arith.addf %div3A_147, %add3A_151 : vector<1024x1xf32>
    %sqrt3A_153 = math.sqrt %add3A_152 : vector<1024x1xf32>
    %div3A_154 = vector.broadcast %sqrt3A_153 : vector<1024x1xf32> to vector<1024x512xf32>
    %div3A_155 = arith.divf %sub3A_149, %div3A_154 : vector<1024x512xf32>
    %mul3A_156 = vector.broadcast %get3A_125 : vector<1x512xf32> to vector<1024x512xf32>
    %mul3A_157 = arith.mulf %div3A_155, %mul3A_156 : vector<1024x512xf32>
    %add3A_158 = vector.broadcast %get3A_128 : vector<1x512xf32> to vector<1024x512xf32>
    %add3A_159 = arith.addf %mul3A_157, %add3A_158 : vector<1024x512xf32>
    %tanh3A_160 = math.tanh %add3A_159 : vector<1024x512xf32>
    %dot_general3A_161 = arith.constant dense<0.000000e+00> : vector<1024x512xf32>
    %dot_general3A_162 = tpu.matmul %tanh3A_160, %get3A_119, %dot_general3A_161 {dimension_numbers = #tpu.dot_dimension_numbers<[1], [0], [0], [1], [0, 0, 1, 1], [], []>, transpose_lhs_hint = false} : vector<1024x512xf32>, vector<512x512xf32>, vector<1024x512xf32> -> vector<1024x512xf32>
    %add3A_163 = vector.broadcast %get3A_122 : vector<1x512xf32> to vector<1024x512xf32>
    %add3A_164 = arith.addf %dot_general3A_162, %add3A_163 : vector<1024x512xf32>
    %reduce_sum3A_165 = arith.constant dense<0.000000e+00> : vector<1024xf32>
    %reduce_sum3A_166 = vector.multi_reduction <add>, %add3A_164, %reduce_sum3A_165 [1] : vector<1024x512xf32> to vector<1024xf32>
    %broadcast_in_dim3A_167 = vector.shape_cast %reduce_sum3A_166 : vector<1024xf32> to vector<1024x1xf32>
    %div3A_168 = arith.constant 5.120000e+02 : f32
    %div3A_169 = vector.broadcast %div3A_168 : f32 to vector<1024x1xf32>
    %div3A_170 = arith.divf %broadcast_in_dim3A_167, %div3A_169 : vector<1024x1xf32>
    %sub3A_171 = vector.broadcast %div3A_170 : vector<1024x1xf32> to vector<1024x512xf32>
    %sub3A_172 = arith.subf %add3A_164, %sub3A_171 : vector<1024x512xf32>
    %integer_pow3A_173 = arith.mulf %sub3A_172, %sub3A_172 : vector<1024x512xf32>
    %reduce_sum3A_174 = arith.constant dense<0.000000e+00> : vector<1024xf32>
    %reduce_sum3A_175 = vector.multi_reduction <add>, %integer_pow3A_173, %reduce_sum3A_174 [1] : vector<1024x512xf32> to vector<1024xf32>
    %broadcast_in_dim3A_176 = vector.shape_cast %reduce_sum3A_175 : vector<1024xf32> to vector<1024x1xf32>
    %div3A_177 = arith.constant 5.120000e+02 : f32
    %div3A_178 = vector.broadcast %div3A_177 : f32 to vector<1024x1xf32>
    %div3A_179 = arith.divf %broadcast_in_dim3A_176, %div3A_178 : vector<1024x1xf32>
    %sub3A_180 = vector.broadcast %div3A_170 : vector<1024x1xf32> to vector<1024x512xf32>
    %sub3A_181 = arith.subf %add3A_164, %sub3A_180 : vector<1024x512xf32>
    %add3A_182 = arith.constant 9.99999974E-6 : f32
    %add3A_183 = vector.broadcast %add3A_182 : f32 to vector<1024x1xf32>
    %add3A_184 = arith.addf %div3A_179, %add3A_183 : vector<1024x1xf32>
    %sqrt3A_185 = math.sqrt %add3A_184 : vector<1024x1xf32>
    %div3A_186 = vector.broadcast %sqrt3A_185 : vector<1024x1xf32> to vector<1024x512xf32>
    %div3A_187 = arith.divf %sub3A_181, %div3A_186 : vector<1024x512xf32>
    %mul3A_188 = vector.broadcast %get3A_125 : vector<1x512xf32> to vector<1024x512xf32>
    %mul3A_189 = arith.mulf %div3A_187, %mul3A_188 : vector<1024x512xf32>
    %add3A_190 = vector.broadcast %get3A_128 : vector<1x512xf32> to vector<1024x512xf32>
    %add3A_191 = arith.addf %mul3A_189, %add3A_190 : vector<1024x512xf32>
    %add3A_192 = arith.addf %add3A_191, %tanh3A_116 : vector<1024x512xf32>
    %tanh3A_193 = math.tanh %add3A_192 : vector<1024x512xf32>
    %get3A_194 = arith.constant 0 : index
    %get3A_195 = arith.constant 0 : index
    %get3A_196 = vector.load %arg7[%get3A_194, %get3A_195] : memref<512x512xf32, #tpu.memory_space<vmem>>, vector<512x512xf32>
    %get3A_197 = arith.constant 2 : index
    %get3A_198 = arith.constant 0 : index
    %get3A_199 = vector.load %arg11[%get3A_197, %get3A_198] : memref<6x512xf32, #tpu.memory_space<vmem>>, vector<1x512xf32>
    %get3A_200 = arith.constant 2 : index
    %get3A_201 = arith.constant 0 : index
    %get3A_202 = vector.load %arg12[%get3A_200, %get3A_201] : memref<6x512xf32, #tpu.memory_space<vmem>>, vector<1x512xf32>
    %get3A_203 = arith.constant 2 : index
    %get3A_204 = arith.constant 0 : index
    %get3A_205 = vector.load %arg13[%get3A_203, %get3A_204] : memref<6x512xf32, #tpu.memory_space<vmem>>, vector<1x512xf32>
    %dot_general3A_206 = arith.constant dense<0.000000e+00> : vector<1024x512xf32>
    %dot_general3A_207 = tpu.matmul %tanh3A_193, %get3A_196, %dot_general3A_206 {dimension_numbers = #tpu.dot_dimension_numbers<[1], [0], [0], [1], [0, 0, 1, 1], [], []>, transpose_lhs_hint = false} : vector<1024x512xf32>, vector<512x512xf32>, vector<1024x512xf32> -> vector<1024x512xf32>
    %add3A_208 = vector.broadcast %get3A_199 : vector<1x512xf32> to vector<1024x512xf32>
    %add3A_209 = arith.addf %dot_general3A_207, %add3A_208 : vector<1024x512xf32>
    %reduce_sum3A_210 = arith.constant dense<0.000000e+00> : vector<1024xf32>
    %reduce_sum3A_211 = vector.multi_reduction <add>, %add3A_209, %reduce_sum3A_210 [1] : vector<1024x512xf32> to vector<1024xf32>
    %broadcast_in_dim3A_212 = vector.shape_cast %reduce_sum3A_211 : vector<1024xf32> to vector<1024x1xf32>
    %div3A_213 = arith.constant 5.120000e+02 : f32
    %div3A_214 = vector.broadcast %div3A_213 : f32 to vector<1024x1xf32>
    %div3A_215 = arith.divf %broadcast_in_dim3A_212, %div3A_214 : vector<1024x1xf32>
    %sub3A_216 = vector.broadcast %div3A_215 : vector<1024x1xf32> to vector<1024x512xf32>
    %sub3A_217 = arith.subf %add3A_209, %sub3A_216 : vector<1024x512xf32>
    %integer_pow3A_218 = arith.mulf %sub3A_217, %sub3A_217 : vector<1024x512xf32>
    %reduce_sum3A_219 = arith.constant dense<0.000000e+00> : vector<1024xf32>
    %reduce_sum3A_220 = vector.multi_reduction <add>, %integer_pow3A_218, %reduce_sum3A_219 [1] : vector<1024x512xf32> to vector<1024xf32>
    %broadcast_in_dim3A_221 = vector.shape_cast %reduce_sum3A_220 : vector<1024xf32> to vector<1024x1xf32>
    %div3A_222 = arith.constant 5.120000e+02 : f32
    %div3A_223 = vector.broadcast %div3A_222 : f32 to vector<1024x1xf32>
    %div3A_224 = arith.divf %broadcast_in_dim3A_221, %div3A_223 : vector<1024x1xf32>
    %sub3A_225 = vector.broadcast %div3A_215 : vector<1024x1xf32> to vector<1024x512xf32>
    %sub3A_226 = arith.subf %add3A_209, %sub3A_225 : vector<1024x512xf32>
    %add3A_227 = arith.constant 9.99999974E-6 : f32
    %add3A_228 = vector.broadcast %add3A_227 : f32 to vector<1024x1xf32>
    %add3A_229 = arith.addf %div3A_224, %add3A_228 : vector<1024x1xf32>
    %sqrt3A_230 = math.sqrt %add3A_229 : vector<1024x1xf32>
    %div3A_231 = vector.broadcast %sqrt3A_230 : vector<1024x1xf32> to vector<1024x512xf32>
    %div3A_232 = arith.divf %sub3A_226, %div3A_231 : vector<1024x512xf32>
    %mul3A_233 = vector.broadcast %get3A_202 : vector<1x512xf32> to vector<1024x512xf32>
    %mul3A_234 = arith.mulf %div3A_232, %mul3A_233 : vector<1024x512xf32>
    %add3A_235 = vector.broadcast %get3A_205 : vector<1x512xf32> to vector<1024x512xf32>
    %add3A_236 = arith.addf %mul3A_234, %add3A_235 : vector<1024x512xf32>
    %tanh3A_237 = math.tanh %add3A_236 : vector<1024x512xf32>
    %dot_general3A_238 = arith.constant dense<0.000000e+00> : vector<1024x512xf32>
    %dot_general3A_239 = tpu.matmul %tanh3A_237, %get3A_196, %dot_general3A_238 {dimension_numbers = #tpu.dot_dimension_numbers<[1], [0], [0], [1], [0, 0, 1, 1], [], []>, transpose_lhs_hint = false} : vector<1024x512xf32>, vector<512x512xf32>, vector<1024x512xf32> -> vector<1024x512xf32>
    %add3A_240 = vector.broadcast %get3A_199 : vector<1x512xf32> to vector<1024x512xf32>
    %add3A_241 = arith.addf %dot_general3A_239, %add3A_240 : vector<1024x512xf32>
    %reduce_sum3A_242 = arith.constant dense<0.000000e+00> : vector<1024xf32>
    %reduce_sum3A_243 = vector.multi_reduction <add>, %add3A_241, %reduce_sum3A_242 [1] : vector<1024x512xf32> to vector<1024xf32>
    %broadcast_in_dim3A_244 = vector.shape_cast %reduce_sum3A_243 : vector<1024xf32> to vector<1024x1xf32>
    %div3A_245 = arith.constant 5.120000e+02 : f32
    %div3A_246 = vector.broadcast %div3A_245 : f32 to vector<1024x1xf32>
    %div3A_247 = arith.divf %broadcast_in_dim3A_244, %div3A_246 : vector<1024x1xf32>
    %sub3A_248 = vector.broadcast %div3A_247 : vector<1024x1xf32> to vector<1024x512xf32>
    %sub3A_249 = arith.subf %add3A_241, %sub3A_248 : vector<1024x512xf32>
    %integer_pow3A_250 = arith.mulf %sub3A_249, %sub3A_249 : vector<1024x512xf32>
    %reduce_sum3A_251 = arith.constant dense<0.000000e+00> : vector<1024xf32>
    %reduce_sum3A_252 = vector.multi_reduction <add>, %integer_pow3A_250, %reduce_sum3A_251 [1] : vector<1024x512xf32> to vector<1024xf32>
    %broadcast_in_dim3A_253 = vector.shape_cast %reduce_sum3A_252 : vector<1024xf32> to vector<1024x1xf32>
    %div3A_254 = arith.constant 5.120000e+02 : f32
    %div3A_255 = vector.broadcast %div3A_254 : f32 to vector<1024x1xf32>
    %div3A_256 = arith.divf %broadcast_in_dim3A_253, %div3A_255 : vector<1024x1xf32>
    %sub3A_257 = vector.broadcast %div3A_247 : vector<1024x1xf32> to vector<1024x512xf32>
    %sub3A_258 = arith.subf %add3A_241, %sub3A_257 : vector<1024x512xf32>
    %add3A_259 = arith.constant 9.99999974E-6 : f32
    %add3A_260 = vector.broadcast %add3A_259 : f32 to vector<1024x1xf32>
    %add3A_261 = arith.addf %div3A_256, %add3A_260 : vector<1024x1xf32>
    %sqrt3A_262 = math.sqrt %add3A_261 : vector<1024x1xf32>
    %div3A_263 = vector.broadcast %sqrt3A_262 : vector<1024x1xf32> to vector<1024x512xf32>
    %div3A_264 = arith.divf %sub3A_258, %div3A_263 : vector<1024x512xf32>
    %mul3A_265 = vector.broadcast %get3A_202 : vector<1x512xf32> to vector<1024x512xf32>
    %mul3A_266 = arith.mulf %div3A_264, %mul3A_265 : vector<1024x512xf32>
    %add3A_267 = vector.broadcast %get3A_205 : vector<1x512xf32> to vector<1024x512xf32>
    %add3A_268 = arith.addf %mul3A_266, %add3A_267 : vector<1024x512xf32>
    %add3A_269 = arith.addf %add3A_268, %tanh3A_193 : vector<1024x512xf32>
    %tanh3A_270 = math.tanh %add3A_269 : vector<1024x512xf32>
    %get3A_271 = arith.constant 0 : index
    %get3A_272 = arith.constant 0 : index
    %get3A_273 = vector.load %arg8[%get3A_271, %get3A_272] : memref<512x512xf32, #tpu.memory_space<vmem>>, vector<512x512xf32>
    %get3A_274 = arith.constant 3 : index
    %get3A_275 = arith.constant 0 : index
    %get3A_276 = vector.load %arg11[%get3A_274, %get3A_275] : memref<6x512xf32, #tpu.memory_space<vmem>>, vector<1x512xf32>
    %get3A_277 = arith.constant 3 : index
    %get3A_278 = arith.constant 0 : index
    %get3A_279 = vector.load %arg12[%get3A_277, %get3A_278] : memref<6x512xf32, #tpu.memory_space<vmem>>, vector<1x512xf32>
    %get3A_280 = arith.constant 3 : index
    %get3A_281 = arith.constant 0 : index
    %get3A_282 = vector.load %arg13[%get3A_280, %get3A_281] : memref<6x512xf32, #tpu.memory_space<vmem>>, vector<1x512xf32>
    %dot_general3A_283 = arith.constant dense<0.000000e+00> : vector<1024x512xf32>
    %dot_general3A_284 = tpu.matmul %tanh3A_270, %get3A_273, %dot_general3A_283 {dimension_numbers = #tpu.dot_dimension_numbers<[1], [0], [0], [1], [0, 0, 1, 1], [], []>, transpose_lhs_hint = false} : vector<1024x512xf32>, vector<512x512xf32>, vector<1024x512xf32> -> vector<1024x512xf32>
    %add3A_285 = vector.broadcast %get3A_276 : vector<1x512xf32> to vector<1024x512xf32>
    %add3A_286 = arith.addf %dot_general3A_284, %add3A_285 : vector<1024x512xf32>
    %reduce_sum3A_287 = arith.constant dense<0.000000e+00> : vector<1024xf32>
    %reduce_sum3A_288 = vector.multi_reduction <add>, %add3A_286, %reduce_sum3A_287 [1] : vector<1024x512xf32> to vector<1024xf32>
    %broadcast_in_dim3A_289 = vector.shape_cast %reduce_sum3A_288 : vector<1024xf32> to vector<1024x1xf32>
    %div3A_290 = arith.constant 5.120000e+02 : f32
    %div3A_291 = vector.broadcast %div3A_290 : f32 to vector<1024x1xf32>
    %div3A_292 = arith.divf %broadcast_in_dim3A_289, %div3A_291 : vector<1024x1xf32>
    %sub3A_293 = vector.broadcast %div3A_292 : vector<1024x1xf32> to vector<1024x512xf32>
    %sub3A_294 = arith.subf %add3A_286, %sub3A_293 : vector<1024x512xf32>
    %integer_pow3A_295 = arith.mulf %sub3A_294, %sub3A_294 : vector<1024x512xf32>
    %reduce_sum3A_296 = arith.constant dense<0.000000e+00> : vector<1024xf32>
    %reduce_sum3A_297 = vector.multi_reduction <add>, %integer_pow3A_295, %reduce_sum3A_296 [1] : vector<1024x512xf32> to vector<1024xf32>
    %broadcast_in_dim3A_298 = vector.shape_cast %reduce_sum3A_297 : vector<1024xf32> to vector<1024x1xf32>
    %div3A_299 = arith.constant 5.120000e+02 : f32
    %div3A_300 = vector.broadcast %div3A_299 : f32 to vector<1024x1xf32>
    %div3A_301 = arith.divf %broadcast_in_dim3A_298, %div3A_300 : vector<1024x1xf32>
    %sub3A_302 = vector.broadcast %div3A_292 : vector<1024x1xf32> to vector<1024x512xf32>
    %sub3A_303 = arith.subf %add3A_286, %sub3A_302 : vector<1024x512xf32>
    %add3A_304 = arith.constant 9.99999974E-6 : f32
    %add3A_305 = vector.broadcast %add3A_304 : f32 to vector<1024x1xf32>
    %add3A_306 = arith.addf %div3A_301, %add3A_305 : vector<1024x1xf32>
    %sqrt3A_307 = math.sqrt %add3A_306 : vector<1024x1xf32>
    %div3A_308 = vector.broadcast %sqrt3A_307 : vector<1024x1xf32> to vector<1024x512xf32>
    %div3A_309 = arith.divf %sub3A_303, %div3A_308 : vector<1024x512xf32>
    %mul3A_310 = vector.broadcast %get3A_279 : vector<1x512xf32> to vector<1024x512xf32>
    %mul3A_311 = arith.mulf %div3A_309, %mul3A_310 : vector<1024x512xf32>
    %add3A_312 = vector.broadcast %get3A_282 : vector<1x512xf32> to vector<1024x512xf32>
    %add3A_313 = arith.addf %mul3A_311, %add3A_312 : vector<1024x512xf32>
    %tanh3A_314 = math.tanh %add3A_313 : vector<1024x512xf32>
    %dot_general3A_315 = arith.constant dense<0.000000e+00> : vector<1024x512xf32>
    %dot_general3A_316 = tpu.matmul %tanh3A_314, %get3A_273, %dot_general3A_315 {dimension_numbers = #tpu.dot_dimension_numbers<[1], [0], [0], [1], [0, 0, 1, 1], [], []>, transpose_lhs_hint = false} : vector<1024x512xf32>, vector<512x512xf32>, vector<1024x512xf32> -> vector<1024x512xf32>
    %add3A_317 = vector.broadcast %get3A_276 : vector<1x512xf32> to vector<1024x512xf32>
    %add3A_318 = arith.addf %dot_general3A_316, %add3A_317 : vector<1024x512xf32>
    %reduce_sum3A_319 = arith.constant dense<0.000000e+00> : vector<1024xf32>
    %reduce_sum3A_320 = vector.multi_reduction <add>, %add3A_318, %reduce_sum3A_319 [1] : vector<1024x512xf32> to vector<1024xf32>
    %broadcast_in_dim3A_321 = vector.shape_cast %reduce_sum3A_320 : vector<1024xf32> to vector<1024x1xf32>
    %div3A_322 = arith.constant 5.120000e+02 : f32
    %div3A_323 = vector.broadcast %div3A_322 : f32 to vector<1024x1xf32>
    %div3A_324 = arith.divf %broadcast_in_dim3A_321, %div3A_323 : vector<1024x1xf32>
    %sub3A_325 = vector.broadcast %div3A_324 : vector<1024x1xf32> to vector<1024x512xf32>
    %sub3A_326 = arith.subf %add3A_318, %sub3A_325 : vector<1024x512xf32>
    %integer_pow3A_327 = arith.mulf %sub3A_326, %sub3A_326 : vector<1024x512xf32>
    %reduce_sum3A_328 = arith.constant dense<0.000000e+00> : vector<1024xf32>
    %reduce_sum3A_329 = vector.multi_reduction <add>, %integer_pow3A_327, %reduce_sum3A_328 [1] : vector<1024x512xf32> to vector<1024xf32>
    %broadcast_in_dim3A_330 = vector.shape_cast %reduce_sum3A_329 : vector<1024xf32> to vector<1024x1xf32>
    %div3A_331 = arith.constant 5.120000e+02 : f32
    %div3A_332 = vector.broadcast %div3A_331 : f32 to vector<1024x1xf32>
    %div3A_333 = arith.divf %broadcast_in_dim3A_330, %div3A_332 : vector<1024x1xf32>
    %sub3A_334 = vector.broadcast %div3A_324 : vector<1024x1xf32> to vector<1024x512xf32>
    %sub3A_335 = arith.subf %add3A_318, %sub3A_334 : vector<1024x512xf32>
    %add3A_336 = arith.constant 9.99999974E-6 : f32
    %add3A_337 = vector.broadcast %add3A_336 : f32 to vector<1024x1xf32>
    %add3A_338 = arith.addf %div3A_333, %add3A_337 : vector<1024x1xf32>
    %sqrt3A_339 = math.sqrt %add3A_338 : vector<1024x1xf32>
    %div3A_340 = vector.broadcast %sqrt3A_339 : vector<1024x1xf32> to vector<1024x512xf32>
    %div3A_341 = arith.divf %sub3A_335, %div3A_340 : vector<1024x512xf32>
    %mul3A_342 = vector.broadcast %get3A_279 : vector<1x512xf32> to vector<1024x512xf32>
    %mul3A_343 = arith.mulf %div3A_341, %mul3A_342 : vector<1024x512xf32>
    %add3A_344 = vector.broadcast %get3A_282 : vector<1x512xf32> to vector<1024x512xf32>
    %add3A_345 = arith.addf %mul3A_343, %add3A_344 : vector<1024x512xf32>
    %add3A_346 = arith.addf %add3A_345, %tanh3A_270 : vector<1024x512xf32>
    %tanh3A_347 = math.tanh %add3A_346 : vector<1024x512xf32>
    %get3A_348 = arith.constant 0 : index
    %get3A_349 = arith.constant 0 : index
    %get3A_350 = vector.load %arg9[%get3A_348, %get3A_349] : memref<512x512xf32, #tpu.memory_space<vmem>>, vector<512x512xf32>
    %get3A_351 = arith.constant 4 : index
    %get3A_352 = arith.constant 0 : index
    %get3A_353 = vector.load %arg11[%get3A_351, %get3A_352] : memref<6x512xf32, #tpu.memory_space<vmem>>, vector<1x512xf32>
    %get3A_354 = arith.constant 4 : index
    %get3A_355 = arith.constant 0 : index
    %get3A_356 = vector.load %arg12[%get3A_354, %get3A_355] : memref<6x512xf32, #tpu.memory_space<vmem>>, vector<1x512xf32>
    %get3A_357 = arith.constant 4 : index
    %get3A_358 = arith.constant 0 : index
    %get3A_359 = vector.load %arg13[%get3A_357, %get3A_358] : memref<6x512xf32, #tpu.memory_space<vmem>>, vector<1x512xf32>
    %dot_general3A_360 = arith.constant dense<0.000000e+00> : vector<1024x512xf32>
    %dot_general3A_361 = tpu.matmul %tanh3A_347, %get3A_350, %dot_general3A_360 {dimension_numbers = #tpu.dot_dimension_numbers<[1], [0], [0], [1], [0, 0, 1, 1], [], []>, transpose_lhs_hint = false} : vector<1024x512xf32>, vector<512x512xf32>, vector<1024x512xf32> -> vector<1024x512xf32>
    %add3A_362 = vector.broadcast %get3A_353 : vector<1x512xf32> to vector<1024x512xf32>
    %add3A_363 = arith.addf %dot_general3A_361, %add3A_362 : vector<1024x512xf32>
    %reduce_sum3A_364 = arith.constant dense<0.000000e+00> : vector<1024xf32>
    %reduce_sum3A_365 = vector.multi_reduction <add>, %add3A_363, %reduce_sum3A_364 [1] : vector<1024x512xf32> to vector<1024xf32>
    %broadcast_in_dim3A_366 = vector.shape_cast %reduce_sum3A_365 : vector<1024xf32> to vector<1024x1xf32>
    %div3A_367 = arith.constant 5.120000e+02 : f32
    %div3A_368 = vector.broadcast %div3A_367 : f32 to vector<1024x1xf32>
    %div3A_369 = arith.divf %broadcast_in_dim3A_366, %div3A_368 : vector<1024x1xf32>
    %sub3A_370 = vector.broadcast %div3A_369 : vector<1024x1xf32> to vector<1024x512xf32>
    %sub3A_371 = arith.subf %add3A_363, %sub3A_370 : vector<1024x512xf32>
    %integer_pow3A_372 = arith.mulf %sub3A_371, %sub3A_371 : vector<1024x512xf32>
    %reduce_sum3A_373 = arith.constant dense<0.000000e+00> : vector<1024xf32>
    %reduce_sum3A_374 = vector.multi_reduction <add>, %integer_pow3A_372, %reduce_sum3A_373 [1] : vector<1024x512xf32> to vector<1024xf32>
    %broadcast_in_dim3A_375 = vector.shape_cast %reduce_sum3A_374 : vector<1024xf32> to vector<1024x1xf32>
    %div3A_376 = arith.constant 5.120000e+02 : f32
    %div3A_377 = vector.broadcast %div3A_376 : f32 to vector<1024x1xf32>
    %div3A_378 = arith.divf %broadcast_in_dim3A_375, %div3A_377 : vector<1024x1xf32>
    %sub3A_379 = vector.broadcast %div3A_369 : vector<1024x1xf32> to vector<1024x512xf32>
    %sub3A_380 = arith.subf %add3A_363, %sub3A_379 : vector<1024x512xf32>
    %add3A_381 = arith.constant 9.99999974E-6 : f32
    %add3A_382 = vector.broadcast %add3A_381 : f32 to vector<1024x1xf32>
    %add3A_383 = arith.addf %div3A_378, %add3A_382 : vector<1024x1xf32>
    %sqrt3A_384 = math.sqrt %add3A_383 : vector<1024x1xf32>
    %div3A_385 = vector.broadcast %sqrt3A_384 : vector<1024x1xf32> to vector<1024x512xf32>
    %div3A_386 = arith.divf %sub3A_380, %div3A_385 : vector<1024x512xf32>
    %mul3A_387 = vector.broadcast %get3A_356 : vector<1x512xf32> to vector<1024x512xf32>
    %mul3A_388 = arith.mulf %div3A_386, %mul3A_387 : vector<1024x512xf32>
    %add3A_389 = vector.broadcast %get3A_359 : vector<1x512xf32> to vector<1024x512xf32>
    %add3A_390 = arith.addf %mul3A_388, %add3A_389 : vector<1024x512xf32>
    %tanh3A_391 = math.tanh %add3A_390 : vector<1024x512xf32>
    %dot_general3A_392 = arith.constant dense<0.000000e+00> : vector<1024x512xf32>
    %dot_general3A_393 = tpu.matmul %tanh3A_391, %get3A_350, %dot_general3A_392 {dimension_numbers = #tpu.dot_dimension_numbers<[1], [0], [0], [1], [0, 0, 1, 1], [], []>, transpose_lhs_hint = false} : vector<1024x512xf32>, vector<512x512xf32>, vector<1024x512xf32> -> vector<1024x512xf32>
    %add3A_394 = vector.broadcast %get3A_353 : vector<1x512xf32> to vector<1024x512xf32>
    %add3A_395 = arith.addf %dot_general3A_393, %add3A_394 : vector<1024x512xf32>
    %reduce_sum3A_396 = arith.constant dense<0.000000e+00> : vector<1024xf32>
    %reduce_sum3A_397 = vector.multi_reduction <add>, %add3A_395, %reduce_sum3A_396 [1] : vector<1024x512xf32> to vector<1024xf32>
    %broadcast_in_dim3A_398 = vector.shape_cast %reduce_sum3A_397 : vector<1024xf32> to vector<1024x1xf32>
    %div3A_399 = arith.constant 5.120000e+02 : f32
    %div3A_400 = vector.broadcast %div3A_399 : f32 to vector<1024x1xf32>
    %div3A_401 = arith.divf %broadcast_in_dim3A_398, %div3A_400 : vector<1024x1xf32>
    %sub3A_402 = vector.broadcast %div3A_401 : vector<1024x1xf32> to vector<1024x512xf32>
    %sub3A_403 = arith.subf %add3A_395, %sub3A_402 : vector<1024x512xf32>
    %integer_pow3A_404 = arith.mulf %sub3A_403, %sub3A_403 : vector<1024x512xf32>
    %reduce_sum3A_405 = arith.constant dense<0.000000e+00> : vector<1024xf32>
    %reduce_sum3A_406 = vector.multi_reduction <add>, %integer_pow3A_404, %reduce_sum3A_405 [1] : vector<1024x512xf32> to vector<1024xf32>
    %broadcast_in_dim3A_407 = vector.shape_cast %reduce_sum3A_406 : vector<1024xf32> to vector<1024x1xf32>
    %div3A_408 = arith.constant 5.120000e+02 : f32
    %div3A_409 = vector.broadcast %div3A_408 : f32 to vector<1024x1xf32>
    %div3A_410 = arith.divf %broadcast_in_dim3A_407, %div3A_409 : vector<1024x1xf32>
    %sub3A_411 = vector.broadcast %div3A_401 : vector<1024x1xf32> to vector<1024x512xf32>
    %sub3A_412 = arith.subf %add3A_395, %sub3A_411 : vector<1024x512xf32>
    %add3A_413 = arith.constant 9.99999974E-6 : f32
    %add3A_414 = vector.broadcast %add3A_413 : f32 to vector<1024x1xf32>
    %add3A_415 = arith.addf %div3A_410, %add3A_414 : vector<1024x1xf32>
    %sqrt3A_416 = math.sqrt %add3A_415 : vector<1024x1xf32>
    %div3A_417 = vector.broadcast %sqrt3A_416 : vector<1024x1xf32> to vector<1024x512xf32>
    %div3A_418 = arith.divf %sub3A_412, %div3A_417 : vector<1024x512xf32>
    %mul3A_419 = vector.broadcast %get3A_356 : vector<1x512xf32> to vector<1024x512xf32>
    %mul3A_420 = arith.mulf %div3A_418, %mul3A_419 : vector<1024x512xf32>
    %add3A_421 = vector.broadcast %get3A_359 : vector<1x512xf32> to vector<1024x512xf32>
    %add3A_422 = arith.addf %mul3A_420, %add3A_421 : vector<1024x512xf32>
    %add3A_423 = arith.addf %add3A_422, %tanh3A_347 : vector<1024x512xf32>
    %tanh3A_424 = math.tanh %add3A_423 : vector<1024x512xf32>
    %get3A_425 = arith.constant 0 : index
    %get3A_426 = arith.constant 0 : index
    %get3A_427 = vector.load %arg10[%get3A_425, %get3A_426] : memref<512x512xf32, #tpu.memory_space<vmem>>, vector<512x512xf32>
    %get3A_428 = arith.constant 5 : index
    %get3A_429 = arith.constant 0 : index
    %get3A_430 = vector.load %arg11[%get3A_428, %get3A_429] : memref<6x512xf32, #tpu.memory_space<vmem>>, vector<1x512xf32>
    %get3A_431 = arith.constant 5 : index
    %get3A_432 = arith.constant 0 : index
    %get3A_433 = vector.load %arg12[%get3A_431, %get3A_432] : memref<6x512xf32, #tpu.memory_space<vmem>>, vector<1x512xf32>
    %get3A_434 = arith.constant 5 : index
    %get3A_435 = arith.constant 0 : index
    %get3A_436 = vector.load %arg13[%get3A_434, %get3A_435] : memref<6x512xf32, #tpu.memory_space<vmem>>, vector<1x512xf32>
    %dot_general3A_437 = arith.constant dense<0.000000e+00> : vector<1024x512xf32>
    %dot_general3A_438 = tpu.matmul %tanh3A_424, %get3A_427, %dot_general3A_437 {dimension_numbers = #tpu.dot_dimension_numbers<[1], [0], [0], [1], [0, 0, 1, 1], [], []>, transpose_lhs_hint = false} : vector<1024x512xf32>, vector<512x512xf32>, vector<1024x512xf32> -> vector<1024x512xf32>
    %add3A_439 = vector.broadcast %get3A_430 : vector<1x512xf32> to vector<1024x512xf32>
    %add3A_440 = arith.addf %dot_general3A_438, %add3A_439 : vector<1024x512xf32>
    %reduce_sum3A_441 = arith.constant dense<0.000000e+00> : vector<1024xf32>
    %reduce_sum3A_442 = vector.multi_reduction <add>, %add3A_440, %reduce_sum3A_441 [1] : vector<1024x512xf32> to vector<1024xf32>
    %broadcast_in_dim3A_443 = vector.shape_cast %reduce_sum3A_442 : vector<1024xf32> to vector<1024x1xf32>
    %div3A_444 = arith.constant 5.120000e+02 : f32
    %div3A_445 = vector.broadcast %div3A_444 : f32 to vector<1024x1xf32>
    %div3A_446 = arith.divf %broadcast_in_dim3A_443, %div3A_445 : vector<1024x1xf32>
    %sub3A_447 = vector.broadcast %div3A_446 : vector<1024x1xf32> to vector<1024x512xf32>
    %sub3A_448 = arith.subf %add3A_440, %sub3A_447 : vector<1024x512xf32>
    %integer_pow3A_449 = arith.mulf %sub3A_448, %sub3A_448 : vector<1024x512xf32>
    %reduce_sum3A_450 = arith.constant dense<0.000000e+00> : vector<1024xf32>
    %reduce_sum3A_451 = vector.multi_reduction <add>, %integer_pow3A_449, %reduce_sum3A_450 [1] : vector<1024x512xf32> to vector<1024xf32>
    %broadcast_in_dim3A_452 = vector.shape_cast %reduce_sum3A_451 : vector<1024xf32> to vector<1024x1xf32>
    %div3A_453 = arith.constant 5.120000e+02 : f32
    %div3A_454 = vector.broadcast %div3A_453 : f32 to vector<1024x1xf32>
    %div3A_455 = arith.divf %broadcast_in_dim3A_452, %div3A_454 : vector<1024x1xf32>
    %sub3A_456 = vector.broadcast %div3A_446 : vector<1024x1xf32> to vector<1024x512xf32>
    %sub3A_457 = arith.subf %add3A_440, %sub3A_456 : vector<1024x512xf32>
    %add3A_458 = arith.constant 9.99999974E-6 : f32
    %add3A_459 = vector.broadcast %add3A_458 : f32 to vector<1024x1xf32>
    %add3A_460 = arith.addf %div3A_455, %add3A_459 : vector<1024x1xf32>
    %sqrt3A_461 = math.sqrt %add3A_460 : vector<1024x1xf32>
    %div3A_462 = vector.broadcast %sqrt3A_461 : vector<1024x1xf32> to vector<1024x512xf32>
    %div3A_463 = arith.divf %sub3A_457, %div3A_462 : vector<1024x512xf32>
    %mul3A_464 = vector.broadcast %get3A_433 : vector<1x512xf32> to vector<1024x512xf32>
    %mul3A_465 = arith.mulf %div3A_463, %mul3A_464 : vector<1024x512xf32>
    %add3A_466 = vector.broadcast %get3A_436 : vector<1x512xf32> to vector<1024x512xf32>
    %add3A_467 = arith.addf %mul3A_465, %add3A_466 : vector<1024x512xf32>
    %tanh3A_468 = math.tanh %add3A_467 : vector<1024x512xf32>
    %dot_general3A_469 = arith.constant dense<0.000000e+00> : vector<1024x512xf32>
    %dot_general3A_470 = tpu.matmul %tanh3A_468, %get3A_427, %dot_general3A_469 {dimension_numbers = #tpu.dot_dimension_numbers<[1], [0], [0], [1], [0, 0, 1, 1], [], []>, transpose_lhs_hint = false} : vector<1024x512xf32>, vector<512x512xf32>, vector<1024x512xf32> -> vector<1024x512xf32>
    %add3A_471 = vector.broadcast %get3A_430 : vector<1x512xf32> to vector<1024x512xf32>
    %add3A_472 = arith.addf %dot_general3A_470, %add3A_471 : vector<1024x512xf32>
    %reduce_sum3A_473 = arith.constant dense<0.000000e+00> : vector<1024xf32>
    %reduce_sum3A_474 = vector.multi_reduction <add>, %add3A_472, %reduce_sum3A_473 [1] : vector<1024x512xf32> to vector<1024xf32>
    %broadcast_in_dim3A_475 = vector.shape_cast %reduce_sum3A_474 : vector<1024xf32> to vector<1024x1xf32>
    %div3A_476 = arith.constant 5.120000e+02 : f32
    %div3A_477 = vector.broadcast %div3A_476 : f32 to vector<1024x1xf32>
    %div3A_478 = arith.divf %broadcast_in_dim3A_475, %div3A_477 : vector<1024x1xf32>
    %sub3A_479 = vector.broadcast %div3A_478 : vector<1024x1xf32> to vector<1024x512xf32>
    %sub3A_480 = arith.subf %add3A_472, %sub3A_479 : vector<1024x512xf32>
    %integer_pow3A_481 = arith.mulf %sub3A_480, %sub3A_480 : vector<1024x512xf32>
    %reduce_sum3A_482 = arith.constant dense<0.000000e+00> : vector<1024xf32>
    %reduce_sum3A_483 = vector.multi_reduction <add>, %integer_pow3A_481, %reduce_sum3A_482 [1] : vector<1024x512xf32> to vector<1024xf32>
    %broadcast_in_dim3A_484 = vector.shape_cast %reduce_sum3A_483 : vector<1024xf32> to vector<1024x1xf32>
    %div3A_485 = arith.constant 5.120000e+02 : f32
    %div3A_486 = vector.broadcast %div3A_485 : f32 to vector<1024x1xf32>
    %div3A_487 = arith.divf %broadcast_in_dim3A_484, %div3A_486 : vector<1024x1xf32>
    %sub3A_488 = vector.broadcast %div3A_478 : vector<1024x1xf32> to vector<1024x512xf32>
    %sub3A_489 = arith.subf %add3A_472, %sub3A_488 : vector<1024x512xf32>
    %add3A_490 = arith.constant 9.99999974E-6 : f32
    %add3A_491 = vector.broadcast %add3A_490 : f32 to vector<1024x1xf32>
    %add3A_492 = arith.addf %div3A_487, %add3A_491 : vector<1024x1xf32>
    %sqrt3A_493 = math.sqrt %add3A_492 : vector<1024x1xf32>
    %div3A_494 = vector.broadcast %sqrt3A_493 : vector<1024x1xf32> to vector<1024x512xf32>
    %div3A_495 = arith.divf %sub3A_489, %div3A_494 : vector<1024x512xf32>
    %mul3A_496 = vector.broadcast %get3A_433 : vector<1x512xf32> to vector<1024x512xf32>
    %mul3A_497 = arith.mulf %div3A_495, %mul3A_496 : vector<1024x512xf32>
    %add3A_498 = vector.broadcast %get3A_436 : vector<1x512xf32> to vector<1024x512xf32>
    %add3A_499 = arith.addf %mul3A_497, %add3A_498 : vector<1024x512xf32>
    %add3A_500 = arith.addf %add3A_499, %tanh3A_424 : vector<1024x512xf32>
    %tanh3A_501 = math.tanh %add3A_500 : vector<1024x512xf32>
    %get3A_502 = arith.constant 0 : index
    %get3A_503 = arith.constant 0 : index
    %get3A_504 = vector.load %arg14[%get3A_502, %get3A_503] : memref<512x1024xf32, #tpu.memory_space<vmem>>, vector<512x1024xf32>
    %dot_general3A_505 = arith.constant dense<0.000000e+00> : vector<1024x1024xf32>
    %dot_general3A_506 = tpu.matmul %tanh3A_501, %get3A_504, %dot_general3A_505 {dimension_numbers = #tpu.dot_dimension_numbers<[1], [0], [0], [1], [0, 0, 1, 1], [], []>, transpose_lhs_hint = false} : vector<1024x512xf32>, vector<512x1024xf32>, vector<1024x1024xf32> -> vector<1024x1024xf32>
    %get3A_507 = arith.constant 0 : index
    %get3A_508 = arith.constant 0 : index
    %get3A_509 = vector.load %arg15[%get3A_507, %get3A_508] : memref<1x1024xf32, #tpu.memory_space<vmem>>, vector<1x1024xf32>
    %add3A_510 = vector.broadcast %get3A_509 : vector<1x1024xf32> to vector<1024x1024xf32>
    %add3A_511 = arith.addf %dot_general3A_506, %add3A_510 : vector<1024x1024xf32>
    %swap3A = arith.constant 0 : index
    %swap3A_512 = arith.constant 0 : index
    %swap3A_513 = vector.load %arg16[%swap3A, %swap3A_512] : memref<1024x1024xf32, #tpu.memory_space<vmem>>, vector<1024x1024xf32>
    tpu.vector_store %arg16[%swap3A, %swap3A_512], %add3A_511 {strides = array<i32>} : memref<1024x1024xf32, #tpu.memory_space<vmem>>, vector<1024x1024xf32>,
    return
  }
  func.func @transform_0(%arg0: i32) -> (i32, i32) {
    %c0_i32 = arith.constant 0 : i32
    %c0_i32_0 = arith.constant 0 : i32
    return %arg0, %c0_i32 : i32, i32
  }
  func.func @transform_1(%arg0: i32) -> (i32, i32) {
    %c0_i32 = arith.constant 0 : i32
    %c0_i32_0 = arith.constant 0 : i32
    return %arg0, %c0_i32 : i32, i32
  }
  func.func @transform_2(%arg0: i32) -> (i32, i32) {
    %c0_i32 = arith.constant 0 : i32
    %c0_i32_0 = arith.constant 0 : i32
    %c0_i32_1 = arith.constant 0 : i32
    return %c0_i32, %c0_i32_0 : i32, i32
  }
  func.func @transform_3(%arg0: i32) -> (i32, i32) {
    %c0_i32 = arith.constant 0 : i32
    %c0_i32_0 = arith.constant 0 : i32
    %c0_i32_1 = arith.constant 0 : i32
    return %c0_i32, %c0_i32_0 : i32, i32
  }
  func.func @transform_4(%arg0: i32) -> (i32, i32) {
    %c0_i32 = arith.constant 0 : i32
    %c0_i32_0 = arith.constant 0 : i32
    %c0_i32_1 = arith.constant 0 : i32
    return %c0_i32, %c0_i32_0 : i32, i32
  }
  func.func @transform_5(%arg0: i32) -> (i32, i32) {
    %c0_i32 = arith.constant 0 : i32
    %c0_i32_0 = arith.constant 0 : i32
    %c0_i32_1 = arith.constant 0 : i32
    return %c0_i32, %c0_i32_0 : i32, i32
  }
  func.func @transform_6(%arg0: i32) -> (i32, i32) {
    %c0_i32 = arith.constant 0 : i32
    %c0_i32_0 = arith.constant 0 : i32
    %c0_i32_1 = arith.constant 0 : i32
    return %c0_i32, %c0_i32_0 : i32, i32
  }
  func.func @transform_7(%arg0: i32) -> (i32, i32) {
    %c0_i32 = arith.constant 0 : i32
    %c0_i32_0 = arith.constant 0 : i32
    %c0_i32_1 = arith.constant 0 : i32
    return %c0_i32, %c0_i32_0 : i32, i32
  }
  func.func @transform_8(%arg0: i32) -> (i32, i32) {
    %c0_i32 = arith.constant 0 : i32
    %c0_i32_0 = arith.constant 0 : i32
    %c0_i32_1 = arith.constant 0 : i32
    return %c0_i32, %c0_i32_0 : i32, i32
  }
  func.func @transform_9(%arg0: i32) -> (i32, i32) {
    %c0_i32 = arith.constant 0 : i32
    %c0_i32_0 = arith.constant 0 : i32
    %c0_i32_1 = arith.constant 0 : i32
    return %c0_i32, %c0_i32_0 : i32, i32
  }
  func.func @transform_10(%arg0: i32) -> (i32, i32) {
    %c0_i32 = arith.constant 0 : i32
    %c0_i32_0 = arith.constant 0 : i32
    %c0_i32_1 = arith.constant 0 : i32
    return %c0_i32, %c0_i32_0 : i32, i32
  }
  func.func @transform_11(%arg0: i32) -> (i32, i32) {
    %c0_i32 = arith.constant 0 : i32
    %c0_i32_0 = arith.constant 0 : i32
    %c0_i32_1 = arith.constant 0 : i32
    return %c0_i32, %c0_i32_0 : i32, i32
  }
  func.func @transform_12(%arg0: i32) -> (i32, i32) {
    %c0_i32 = arith.constant 0 : i32
    %c0_i32_0 = arith.constant 0 : i32
    %c0_i32_1 = arith.constant 0 : i32
    return %c0_i32, %c0_i32_0 : i32, i32
  }
  func.func @transform_13(%arg0: i32) -> (i32, i32) {
    %c0_i32 = arith.constant 0 : i32
    %c0_i32_0 = arith.constant 0 : i32
    %c0_i32_1 = arith.constant 0 : i32
    return %c0_i32, %c0_i32_0 : i32, i32
  }
  func.func @transform_14(%arg0: i32) -> (i32, i32) {
    %c0_i32 = arith.constant 0 : i32
    %c0_i32_0 = arith.constant 0 : i32
    %c0_i32_1 = arith.constant 0 : i32
    return %c0_i32, %c0_i32_0 : i32, i32
  }
  func.func @transform_15(%arg0: i32) -> (i32, i32) {
    %c0_i32 = arith.constant 0 : i32
    %c0_i32_0 = arith.constant 0 : i32
    return %arg0, %c0_i32 : i32, i32
  }
}

</mosaic_0001>

<sc_bundles>
// kernel: kernel.5.cloned.1.call-start
scs
__scs_entry_jumppad:
0x0: {  	(pc) =	sbr.rel $0x88, $3  }
0x1: {  	(tag) =	ssettag $0x0;
	lr =	simm.s32 $0x1  }
0x2: {  	[smem:$0x3F63] =	sst lr;
	_ =	strace $0xD0000000  }
0x3: {  	_ = 	snop  }
0x4: {  	_ = 	snop  }
0x5: {  	_ = 	snop  }
0x6: {  	_ = 	snop  }
0x7: {  	_ = 	snop  }
__scs_overlays_trampoline_lowered:
0x8: {  	[smem:$0x3F72] =	sst s0  }
0x9: {  	[smem:$0x3F73] =	sst s1  }
0xa: {  	[smem:$0x3F74] =	sst s2  }
0xb: {  	[smem:$0x3F75] =	sst s3  }
0xc: {  	[smem:$0x3F76] =	sst s4  }
0xd: {  	[smem:$0x3F77] =	sst s5  }
0xe: {  	[smem:$0x3F78] =	sst s6  }
0xf: {  	[smem:$0x3F79] =	sst s7  }
0x10: {  	[smem:$0x3F7A] =	sst s8  }
0x11: {  	[smem:$0x3F7B] =	sst s9;
	s0 =	simm.s32 @!p0 $0x0  }
0x12: {  	s1 =	sld [smem:$0x3F61];
	s0 =	simm.s32 @p0 $0x1  }
0x13: {  	[smem:$0x3F7C] =	sst s0;
	s0 =	simm.s32 @!p1 $0x0  }
0x14: {  	s2 =	sld [smem:$0x3F60];
	s0 =	simm.s32 @p1 $0x1  }
0x15: {  	[smem:$0x3F7D] =	sst s0;
	s0 =	simm.s32 @!p2 $0x0  }
0x16: {  	s3 =	sld [smem:$0x3FDB];
	s0 =	simm.s32 @p2 $0x1  }
0x17: {  	s4 =	simm.s32 $0x1BF5;
	[smem:$0x3F7F] =	sst s0  }
0x18: {  	s0 =	sld [smem:$0x3F62];
	_ =	swait.ge [sflag:s4], $0x0  }
0x19: {  	s7 =	sld [smem:$0x3F63]  }
0x1a: {  	s8 =	sadd.s32 $0xFFFFE003, lr  }
0x1b: {  	s9 =	sadd.s32 $0xFFFFFEF7, lr;
	s5 =	simm.s32 $0xFFFFFFFF;
	p2 =	slt.u32 s8, $0xFFFFF086  }
0x1c: {  	p1 =	slt.u32 s9, $0xF7A;
	s5 =	simm.s32 @!p2 $0x0  }
0x1d: {  	s5 =	simm.s32 @p1 $0x1;
	p0 =	seq.s32 s7, s2  }
0x1e: {  	s7 =	smul.u32 @!p0 $0xF7A, s2;
	p2 =	seq.s32 @!p0 s5, $0x0  }
0x1f: {  	s9 =	smul.u32 $0xF7A, s1;
	s8 =	simm.s32 @!p0 $0x1BF5;
	p2 =	por !p2, p0  }
0x20: {  	[sflag:s8] =	ssyncset.s32 @!p0 $0xFFFFF086;
	s6 =	sadd.s32 @!p0 s3, s7;
	s7 =	simm.s32 @!p0 $0x108  }
0x21: {  	s3 =	sadd.s32 s3, s9;
	s6 =	sadd.s32 @!p0 $0x88, s6;
	s7 =	simm.s32 @p2 $0x1082  }
0x22: {  	[simem:s7], [sflag:s8] =	dma.local @!p0 [hbm:s6], $0xF7A  }
0x23: {  	s9 =	sor.u32 $0xD0000000, s2;
	s6 =	simm.s32 $0x108;
	_ =	swait.ge @!p0 [sflag:s8], $0x0  }
0x24: {  	s3 =	sadd.s32 $0x88, s3;
	s6 =	simm.s32 @!p1 $0x1082;
	[sflag:s4] =	ssyncset.s32 $0xFFFFF086  }
0x25: {  	[simem:s6], [sflag:s4] =	dma.local [hbm:s3], $0xF7A  }
0x26: {  	[smem:$0x3F63] =	sst s1;
	(tag) =	ssettag s2;
	_ =	strace s9  }
0x27: {  	s1 =	sld [smem:$0x3F73]  }
0x28: {  	s2 =	sld [smem:$0x3F74]  }
0x29: {  	s4 =	sld [smem:$0x3F76]  }
0x2a: {  	p0 =	seq.s32 s5, $0x0;
	s5 =	sld [smem:$0x3F77]  }
0x2b: {  	s6 =	sld [smem:$0x3F78]  }
0x2c: {  	s7 =	sld [smem:$0x3F79]  }
0x2d: {  	s3 =	simm.s32 $0x108;
	s8 =	sld [smem:$0x3F7A]  }
0x2e: {  	s3 =	simm.s32 @!p0 $0x1082;
	s9 =	sld [smem:$0x3F7B]  }
0x2f: {  	lr =	sadd.s32 s0, s3;
	s0 =	sld [smem:$0x3F72]  }
0x30: {  	s3 =	sld [smem:$0x3F75]  }
0x31: {  	[smem:$0x3F7E] =	sst s10  }
0x32: {  	s10 =	sld [smem:$0x3F7C];
	_ =	sdelay $0x3  }
0x33: {  	p0 =	seq.s32 s10, $0x1;
	s10 =	sld [smem:$0x3F7E];
	_ =	sdelay $0x3  }
0x34: {  	[smem:$0x3F7E] =	sst s10  }
0x35: {  	s10 =	sld [smem:$0x3F7D];
	_ =	sdelay $0x3  }
0x36: {  	p1 =	seq.s32 s10, $0x1;
	s10 =	sld [smem:$0x3F7E];
	_ =	sdelay $0x3  }
0x37: {  	[smem:$0x3F7E] =	sst s10  }
0x38: {  	s10 =	sld [smem:$0x3F7F]  }
0x39: {  	_ = 	snop;
	(pc) =	sbr.ind lr, $3  }
0x3a: {  	_ = 	snop  }
0x3b: {  	_ = 	snop  }
0x3c: {  	p2 =	seq.s32 s10, $0x1;
	s10 =	sld [smem:$0x3F7E]  }
0x3d: {  	_ =	shalt  }
0x3e: {  	_ =	shalt  }
0x3f: {  	_ =	shalt  }
0x40: {  	_ =	shalt  }
0x41: {  	_ =	shalt  }
0x42: {  	_ =	shalt  }
0x43: {  	_ =	shalt  }
0x44: {  	_ =	shalt  }
0x45: {  	_ =	shalt  }
0x46: {  	_ =	shalt  }
0x47: {  	_ =	shalt  }
0x48: {  	_ =	shalt  }
0x49: {  	_ =	shalt  }
0x4a: {  	_ =	shalt  }
0x4b: {  	_ =	shalt  }
0x4c: {  	_ =	shalt  }
0x4d: {  	_ =	shalt  }
0x4e: {  	_ =	shalt  }
0x4f: {  	_ =	shalt  }
0x50: {  	_ =	shalt  }
0x51: {  	_ =	shalt  }
0x52: {  	_ =	shalt  }
0x53: {  	_ =	shalt  }
0x54: {  	_ =	shalt  }
0x55: {  	_ =	shalt  }
0x56: {  	_ =	shalt  }
0x57: {  	_ =	shalt  }
0x58: {  	_ =	shalt  }
0x59: {  	_ =	shalt  }
0x5a: {  	_ =	shalt  }
0x5b: {  	_ =	shalt  }
0x5c: {  	_ =	shalt  }
0x5d: {  	_ =	shalt  }
0x5e: {  	_ =	shalt  }
0x5f: {  	_ =	shalt  }
0x60: {  	_ =	shalt  }
0x61: {  	_ =	shalt  }
0x62: {  	_ =	shalt  }
0x63: {  	_ =	shalt  }
0x64: {  	_ =	shalt  }
0x65: {  	_ =	shalt  }
0x66: {  	_ =	shalt  }
0x67: {  	_ =	shalt  }
0x68: {  	_ =	shalt  }
0x69: {  	_ =	shalt  }
0x6a: {  	_ =	shalt  }
0x6b: {  	_ =	shalt  }
0x6c: {  	_ =	shalt  }
0x6d: {  	_ =	shalt  }
0x6e: {  	_ =	shalt  }
0x6f: {  	_ =	shalt  }
0x70: {  	_ =	shalt  }
0x71: {  	_ =	shalt  }
0x72: {  	_ =	shalt  }
0x73: {  	_ =	shalt  }
0x74: {  	_ =	shalt  }
0x75: {  	_ =	shalt  }
0x76: {  	_ =	shalt  }
0x77: {  	_ =	shalt  }
0x78: {  	_ =	shalt  }
0x79: {  	_ =	shalt  }
0x7a: {  	_ =	shalt  }
0x7b: {  	_ =	shalt  }
0x7c: {  	_ =	shalt  }
0x7d: {  	_ =	shalt  }
0x7e: {  	_ =	shalt  }
0x7f: {  	_ =	shalt  }
0x80: {  	_ =	shalt  }
0x81: {  	_ =	shalt  }
0x82: {  	_ =	shalt  }
0x83: {  	_ =	shalt  }
0x84: {  	_ =	shalt  }
0x85: {  	_ =	shalt  }
0x86: {  	_ =	shalt  }
0x87: {  	_ =	shalt  }
.Lfunc_end0:
.L_simem_size_0:
called_computation_lowered:
.L_overlay_start_0:
0x88: {  	s2 =	sld [smem:$0x3FD9]  }
0x89: {  	s3 =	sld [smem:$0x3FFE];
	_ =	sdelay $0x1  }
0x8a: {  	s1 =	srdreg.scid  }
0x8b: {  	s0 =	sand.u32 $0x1, s1  }
0x8c: {  	s15 =	sshll.u32 s0, $0xA;
	s2 =	sadd.s32 s3, s2  }
0x8d: {  	s2 =	sadd.s32 s2, s15  }
0x8e: {  	[smem:$0x3F8A] =	sst s2  }
0x8f: {  	_ = 	snop  }
0x90: {  	s2 =	sld [smem:$0x3FD0];
	_ =	sdelay $0x2  }
0x91: {  	s4 =	simm.s32 $0xA;
	s5 =	simm.s32 $0x10;
	s16 =	sld [smem:$0x3FAA]  }
0x92: {  	[smem:s5], [sflag:s4] =	dma.local [hbm:s2], $0x1  }
0x93: {  	_ =	swait.eq [sflag:s4], $0x1  }
0x94: {  	[sflag:s4] =	ssyncset.done $0x0  }
0x95: {  	s17 =	sld [smem:$0x12];
	[sflag:s4] =	ssyncadd.s32 $0xFFFFFFFF  }
0x96: {  	s18 =	sld [smem:$0x13];
	(tm) =	ssettm $0x1  }
0x97: {  	s19 =	sld [smem:$0x3FFB];
	_ =	sdelay $0x3  }
0x98: {  	_ =	strace s19  }
0x99: {  	s5 =	sld [smem:$0x3FFC];
	_ =	sdelay $0x3  }
0x9a: {  	_ =	strace s5  }
0x9b: {  	s5 =	sld [smem:$0x3FFD];
	_ =	sdelay $0x3  }
0x9c: {  	_ =	strace s5  }
0x9d: {  	_ =	strace $0x8FFFFFFF  }
0x9e: {  	s20 =	sld [smem:$0x3FDB];
	_ =	sdelay $0x1  }
0x9f: {  	s6 =	simm.s32 $_scs_section_size  }
0xa0: {  	s7 =	simm.s32 $_size__tile_overlayer_lowered;
	s8 =	simm.s32 $_tile_overlayer_lowered  }
0xa1: {  	s23 =	simm.s32 $0x1BFF;
	s22 =	sshll.u32 s8, $0x1;
	s5 =	sadd.s32 s6, s20  }
0xa2: {  	s9 =	simm.s32 $0x0;
	s21 =	sshll.u32 s7, $0x1;
	s7 =	sadd.s32 s22, s5  }
0xa3: {  	[timem:s9], [sflag:s23] =	dma.local [hbm:s7], s21  }
0xa4: {  	_ =	swait.ge [sflag:s23], s21  }
0xa5: {  	s6 =	ssub.s32 $0x0, s21;
	[sflag:s23] =	ssyncset.done $0x0  }
0xa6: {  	[sflag:s23] =	ssyncadd.s32 s6;
	_ =	sdelay $0x1  }
0xa7: {  	s24 =	simm.s32 $0x1B8B  }
0xa8: {  	_ =	swait.ge [sflag:s24], $0x1  }
0xa9: {  	[sflag:s24] =	ssyncset.done $0x0  }
0xaa: {  	s25 =	simm.s32 $0x1B8E;
	[sflag:s24] =	ssyncadd.s32 $0xFFFFFFFF  }
0xab: {  	s26 =	simm.s32 $execute0_lowered;
	[smem:$0x3FD2] =	sst s25  }
0xac: {  	s6 =	sshll.u32 s26, $0x1;
	_ =	strace $0x80000046;
	[dreg:$0x1] =	wrdreg $0xFFFFFFFF  }
0xad: {  	s28 =	simm.s32 $_size_execute0_lowered;
	s5 =	sadd.s32 s5, s6;
	[dreg:$0x0] =	wrdreg $0x0  }
0xae: {  	s6 =	sshll.u32 s28, $0x1;
	[dreg:$0x2] =	wrdreg s5  }
0xaf: {  	[dreg:$0x3] =	wrdreg s6  }
0xb0: {  	[dreg:$0x4] =	wrdreg $0xC0  }
0xb1: {  	_ =	task [dreg:s9], $0x5FFFF  }
0xb2: {  	[dreg:$0x1] =	wrdreg $0xFFFFFFFF  }
0xb3: {  	[dreg:$0x0] =	wrdreg $0x60  }
0xb4: {  	[dreg:$0x2] =	wrdreg s16  }
0xb5: {  	[dreg:$0x3] =	wrdreg s18  }
0xb6: {  	[dreg:$0x4] =	wrdreg s17  }
0xb7: {  	[dreg:$0x5] =	wrdreg $0x9  }
0xb8: {  	_ =	task.clear_ibuf [dreg:s9], $0x6FFFF;
	_ =	strace $0x90000046  }
0xb9: {  	s29 =	simm.s32 $0x9;
	_ =	strace $0x80000048  }
0xba: {  	_ =	swait.ge [sflag:s29], $0x1  }
0xbb: {  	[sflag:s29] =	ssyncadd.s32 $0xFFFFFFFF  }
0xbc: {  	_ =	strace $0x90000048  }
0xbd: {  	_ =	sfence  }
0xbe: {  	s30 =	sld [smem:$0x0];
	_ =	sdelay $0x2  }
0xbf: {  	s31 =	sshll.u32 s1, $0xD;
	s1 =	sshrl.u32 s1, $0x2  }
0xc0: {  	s3 =	sand.u32 $0x4000, s31;
	s1 =	sadd.s32 s1, s30  }
0xc1: {  	s0 =	sor.u32 s3, s0;
	s1 =	sshll.u32 s1, $0x11  }
0xc2: {  	s0 =	sor.u32 s1, s0  }
0xc3: {  	s0 =	sadd.s32 $0x8F2B, s0  }
0xc4: {  	[sflag:s0] =	ssyncadd.remote.s32 $0x1  }
0xc5: {  	_ =	sfence.sel $0xFFFF  }
0xc6: {  	[dreg:$0x0] =	wrdreg $0xFFFFFFFF;
	(pc) =	sbr.abs _section_cstart, $3  }
0xc7: {  	[dreg:$0x1] =	wrdreg $0xFFFFFFFF  }
0xc8: {  	_ =	task.clear_ibuf [dreg:s9], $0x2FFFF;
	_ =	strace $0x9FFFFFFF  }
0xc9: {  	(tm) =	ssettm $0x7FFFFFFF  }
tec
execute0_lowered:
.L_overlay_start_1:
0x0: {  	(tag) =	ssettag $0x1  }
0x1: {  	s1 =	rddreg [dreg:$0x0]  }
0x2: {  	s4 =	rddreg [dreg:$0x1]  }
0x3: {  	s5 =	rddreg [dreg:$0x2]  }
0x4: {  	s0 =	rddreg [dreg:$0x3];
	s3 =	simm.s32 $0x0;
	s6 =	srdreg.scid  }
0x5: {  	s2 =	stileid.u32;
	s10 =	simm.s32 $0x1080;
	s11 =	simm.s32 $0x1880  }
0x6: {  	s12 =	simm.s32 $0x2080;
	s13 =	simm.s32 $0x2880;
	s14 =	simm.s32 $0x3080  }
0x7: {  	s15 =	simm.s32 $0x3880;
	s16 =	simm.s32 $0x4080;
	s17 =	simm.s32 $0x4880  }
0x8: {  	s18 =	simm.s32 $0x5080;
	s19 =	simm.s32 $0x5880;
	s20 =	simm.s32 $0x6080  }
0x9: {  	s21 =	simm.s32 $0x6880;
	s22 =	simm.s32 $0x7080;
	s23 =	simm.s32 $0x7880  }
0xa: {  	s24 =	simm.s32 $0x1;
	[smem:$0x7FF] =	sst s3;
	s6 =	sand.u32 $0x1, s6  }
0xb: {  	s8 =	sshll.u32 s2, $0x8;
	s7 =	ssub.s32 $0x2, s6;
	s6 =	sshll.u32 s6, $0x7  }
0xc: {  	_ =	strace $0x80000047;
	s9 =	sshrl.u32 s7, $0x1;
	s6 =	sor.u32 s6, s8  }
0xd: {  	v2 =	vlaneseq.u32;
	s7 =	ssub.s32 s7, s9;
	s8 =	sshrl.u32 s6, $0x3;
	s6 =	sshll.u32 s6, $0x5  }
0xe: {  	vm0 =	vmmov $0xffff;
	v1 =	vshrl.u32 v2, $0x3;
	s9 =	simm.s32 $0x880;
	s4 =	sadd.s32 s4, s8;
	s5 =	sadd.s32 s5, s6  }
0xf: {  	v0 =	vand.u32 $0x7, v2;
	v2 =	vor.u32 $0x8, v2;
	v1 =	vmul.u32 $0x8, v1;
	s6 =	smax.u32 s7, $0x1;
	s7 =	simm.s32 $0x2;
	s8 =	simm.s32 $0x80  }
.LBB2_1:
0x10: {  	[tilespmem:s3], [sflag:$0x2] =	stream.linear.gather [hbm4b:s4+s3], $0x80, $0x38;
	[tilespmem:$0x8080] =	vst v63  }
0x11: {  	_ =	swait.ge [sflag:s7], $0x80  }
0x12: {  	[sflag:s7] =	ssyncset.done $0x0  }
0x13: {  	[sflag:s7] =	ssyncadd.s32 $0xFFFFFF80  }
0x14: {  	v3 =	vld [tilespmem:$0x0];
	_ =	sdelay $0x4  }
0x15: {  	v4 =	vshll.u32 v3, $0x1  }
0x16: {  	v3 =	vand.u32 $0x7, v3;
	v4 =	vand.u32 $0xFFFFFFF0, v4  }
0x17: {  	v3 =	vor.u32 v3, v4  }
0x18: {  	v4 =	vperm.xlane v3, v0;
	_ =	sdelay $0x1  }
0x19: {  	v3 =	vperm.xlane v3, v2;
	v4 =	vadd.s32 v1, v4;
	_ =	sdelay $0x1  }
0x1a: {  	v3 =	vadd.s32 v1, v3;
	_ =	sdelay $0x2  }
0x1b: {  	[tilespmem:s8], [sflag:$0x1] =	stream.indirect_vreg.gather [hbm4b:s1+s3], $0x80, v4, vm0, $0xb8;
	[tilespmem:$0x8080] =	vst v63  }
0x1c: {  	_ = 	snop  }
0x1d: {  	[tilespmem:s9], [sflag:$0x1] =	stream.indirect_vreg.gather [hbm4b:s1+s3], $0x80, v3, vm0, $0xb8;
	[tilespmem:$0x8080] =	vst v63  }
0x1e: {  	v3 =	vld [tilespmem:$0x10];
	_ =	sdelay $0x4  }
0x1f: {  	v57 =	vshll.u32 v3, $0x1  }
0x20: {  	v3 =	vand.u32 $0x7, v3;
	v4 =	vand.u32 $0xFFFFFFF0, v57  }
0x21: {  	v3 =	vor.u32 v3, v4  }
0x22: {  	v4 =	vperm.xlane v3, v0;
	_ =	sdelay $0x1  }
0x23: {  	v3 =	vperm.xlane v3, v2;
	v4 =	vadd.s32 v1, v4;
	_ =	sdelay $0x1  }
0x24: {  	v3 =	vadd.s32 v1, v3;
	_ =	sdelay $0x2  }
0x25: {  	[tilespmem:s10], [sflag:$0x1] =	stream.indirect_vreg.gather [hbm4b:s1+s3], $0x80, v4, vm0, $0xb8;
	[tilespmem:$0x8080] =	vst v63  }
0x26: {  	_ = 	snop  }
0x27: {  	[tilespmem:s11], [sflag:$0x1] =	stream.indirect_vreg.gather [hbm4b:s1+s3], $0x80, v3, vm0, $0xb8;
	[tilespmem:$0x8080] =	vst v63  }
0x28: {  	v3 =	vld [tilespmem:$0x20];
	_ =	sdelay $0x4  }
0x29: {  	v58 =	vshll.u32 v3, $0x1  }
0x2a: {  	v3 =	vand.u32 $0x7, v3;
	v4 =	vand.u32 $0xFFFFFFF0, v58  }
0x2b: {  	v3 =	vor.u32 v3, v4  }
0x2c: {  	v4 =	vperm.xlane v3, v0;
	_ =	sdelay $0x1  }
0x2d: {  	v3 =	vperm.xlane v3, v2;
	v4 =	vadd.s32 v1, v4;
	_ =	sdelay $0x1  }
0x2e: {  	v3 =	vadd.s32 v1, v3;
	_ =	sdelay $0x2  }
0x2f: {  	[tilespmem:s12], [sflag:$0x1] =	stream.indirect_vreg.gather [hbm4b:s1+s3], $0x80, v4, vm0, $0xb8;
	[tilespmem:$0x8080] =	vst v63  }
0x30: {  	_ = 	snop  }
0x31: {  	[tilespmem:s13], [sflag:$0x1] =	stream.indirect_vreg.gather [hbm4b:s1+s3], $0x80, v3, vm0, $0xb8;
	[tilespmem:$0x8080] =	vst v63  }
0x32: {  	v3 =	vld [tilespmem:$0x30];
	_ =	sdelay $0x4  }
0x33: {  	v59 =	vshll.u32 v3, $0x1  }
0x34: {  	v3 =	vand.u32 $0x7, v3;
	v4 =	vand.u32 $0xFFFFFFF0, v59  }
0x35: {  	v3 =	vor.u32 v3, v4  }
0x36: {  	v4 =	vperm.xlane v3, v0;
	_ =	sdelay $0x1  }
0x37: {  	v3 =	vperm.xlane v3, v2;
	v4 =	vadd.s32 v1, v4;
	_ =	sdelay $0x1  }
0x38: {  	v3 =	vadd.s32 v1, v3;
	_ =	sdelay $0x2  }
0x39: {  	[tilespmem:s14], [sflag:$0x1] =	stream.indirect_vreg.gather [hbm4b:s1+s3], $0x80, v4, vm0, $0xb8;
	[tilespmem:$0x8080] =	vst v63  }
0x3a: {  	_ = 	snop  }
0x3b: {  	[tilespmem:s15], [sflag:$0x1] =	stream.indirect_vreg.gather [hbm4b:s1+s3], $0x80, v3, vm0, $0xb8;
	[tilespmem:$0x8080] =	vst v63  }
0x3c: {  	v3 =	vld [tilespmem:$0x40];
	_ =	sdelay $0x4  }
0x3d: {  	v60 =	vshll.u32 v3, $0x1  }
0x3e: {  	v3 =	vand.u32 $0x7, v3;
	v4 =	vand.u32 $0xFFFFFFF0, v60  }
0x3f: {  	v3 =	vor.u32 v3, v4  }
0x40: {  	v4 =	vperm.xlane v3, v0;
	_ =	sdelay $0x1  }
0x41: {  	v3 =	vperm.xlane v3, v2;
	v4 =	vadd.s32 v1, v4;
	_ =	sdelay $0x1  }
0x42: {  	v3 =	vadd.s32 v1, v3;
	_ =	sdelay $0x2  }
0x43: {  	[tilespmem:s16], [sflag:$0x1] =	stream.indirect_vreg.gather [hbm4b:s1+s3], $0x80, v4, vm0, $0xb8;
	[tilespmem:$0x8080] =	vst v63  }
0x44: {  	_ = 	snop  }
0x45: {  	[tilespmem:s17], [sflag:$0x1] =	stream.indirect_vreg.gather [hbm4b:s1+s3], $0x80, v3, vm0, $0xb8;
	[tilespmem:$0x8080] =	vst v63  }
0x46: {  	v3 =	vld [tilespmem:$0x50];
	_ =	sdelay $0x4  }
0x47: {  	v61 =	vshll.u32 v3, $0x1  }
0x48: {  	v3 =	vand.u32 $0x7, v3;
	v4 =	vand.u32 $0xFFFFFFF0, v61  }
0x49: {  	v3 =	vor.u32 v3, v4  }
0x4a: {  	v4 =	vperm.xlane v3, v0;
	_ =	sdelay $0x1  }
0x4b: {  	v3 =	vperm.xlane v3, v2;
	v4 =	vadd.s32 v1, v4;
	_ =	sdelay $0x1  }
0x4c: {  	v3 =	vadd.s32 v1, v3;
	_ =	sdelay $0x2  }
0x4d: {  	[tilespmem:s18], [sflag:$0x1] =	stream.indirect_vreg.gather [hbm4b:s1+s3], $0x80, v4, vm0, $0xb8;
	[tilespmem:$0x8080] =	vst v63  }
0x4e: {  	_ = 	snop  }
0x4f: {  	[tilespmem:s19], [sflag:$0x1] =	stream.indirect_vreg.gather [hbm4b:s1+s3], $0x80, v3, vm0, $0xb8;
	[tilespmem:$0x8080] =	vst v63  }
0x50: {  	v3 =	vld [tilespmem:$0x60];
	_ =	sdelay $0x4  }
0x51: {  	v62 =	vshll.u32 v3, $0x1  }
0x52: {  	v3 =	vand.u32 $0x7, v3;
	v4 =	vand.u32 $0xFFFFFFF0, v62  }
0x53: {  	v3 =	vor.u32 v3, v4  }
0x54: {  	v4 =	vperm.xlane v3, v0;
	_ =	sdelay $0x1  }
0x55: {  	v3 =	vperm.xlane v3, v2;
	v4 =	vadd.s32 v1, v4;
	_ =	sdelay $0x1  }
0x56: {  	v3 =	vadd.s32 v1, v3;
	_ =	sdelay $0x2  }
0x57: {  	[tilespmem:s20], [sflag:$0x1] =	stream.indirect_vreg.gather [hbm4b:s1+s3], $0x80, v4, vm0, $0xb8;
	[tilespmem:$0x8080] =	vst v63  }
0x58: {  	_ = 	snop  }
0x59: {  	[tilespmem:s21], [sflag:$0x1] =	stream.indirect_vreg.gather [hbm4b:s1+s3], $0x80, v3, vm0, $0xb8;
	[tilespmem:$0x8080] =	vst v63  }
0x5a: {  	v3 =	vld [tilespmem:$0x70];
	_ =	sdelay $0x4  }
0x5b: {  	v63 =	vshll.u32 v3, $0x1  }
0x5c: {  	v3 =	vand.u32 $0x7, v3;
	v4 =	vand.u32 $0xFFFFFFF0, v63  }
0x5d: {  	v3 =	vor.u32 v3, v4  }
0x5e: {  	v4 =	vperm.xlane v3, v0;
	_ =	sdelay $0x1  }
0x5f: {  	v3 =	vperm.xlane v3, v2;
	v4 =	vadd.s32 v1, v4;
	_ =	sdelay $0x1  }
0x60: {  	v3 =	vadd.s32 v1, v3;
	_ =	sdelay $0x2  }
0x61: {  	[tilespmem:s22], [sflag:$0x1] =	stream.indirect_vreg.gather [hbm4b:s1+s3], $0x80, v4, vm0, $0xb8;
	[tilespmem:$0x8080] =	vst v63  }
0x62: {  	_ = 	snop  }
0x63: {  	[tilespmem:s23], [sflag:$0x1] =	stream.indirect_vreg.gather [hbm4b:s1+s3], $0x80, v3, vm0, $0xb8;
	[tilespmem:$0x8080] =	vst v63  }
0x64: {  	_ =	swait.ge [sflag:s24], $0x8000  }
0x65: {  	p0 =	sne.s32 s6, $0x1;
	[sflag:s24] =	ssyncset.done $0x0  }
.Ltmp0:
0x66: {  	[sflag:s24] =	ssyncadd.s32 $0xFFFF8000;
	(pc) =	sbr.rel @p0 .LBB2_1-.Ltmp0, $4  }
0x67: {  	[hbm4b:s5+s3] =	stream.linear.scatter [tilespmem:s8], [sflag:$0x2], $0x8000, $0x38;
	[tilespmem:$0x8080] =	vst v63  }
0x68: {  	_ =	swait.ge [sflag:s7], $0x8000  }
0x69: {  	[sflag:s7] =	ssyncset.done $0x0  }
0x6a: {  	s6 =	sadd.s32 $0xFFFFFFFF, s6;
	[sflag:s7] =	ssyncadd.s32 $0xFFFF8000  }
0x6b: {  	_ =	sfence.sel $0x180000  }
0x6c: {  	[bflag:$0x0] =	sbarrier.arrive $0xFFFF  }
0x6d: {  	p0 =	sne.s32 s2, $0x0;
	_ =	strace $0x90000047  }
0x6e: {  	s0 =	sadd.s32 @!p0 $0x100000, s0;
	[bflag:$0x2] =	sbarrier.arrive $0xFFFF  }
0x6f: {  	[sflag:s0] =	ssyncadd.tile.s32 @!p0 $0x1;
	_ =	shalt  }
.Lfunc_end2:
_tile_overlayer_lowered:
.L_overlay_start_2:
0x70: {  	(tag) =	ssettag $0x2  }
0x71: {  	s0 =	rddreg [dreg:$0x0];
	s2 =	stileid.u32  }
0x72: {  	s1 =	rddreg [dreg:$0x1];
	p0 =	sne.s32 s2, $0x0  }
0x73: {  	s3 =	rddreg [dreg:$0x2];
	[bflag:$0x3] =	sbarrier.arrive $0xFFFF;
	s2 =	simm.s32 @!p0 $0x1C02  }
0x74: {  	[timem:s3], [sflag:s2] =	dma.local @!p0 [hbm:s0], s1  }
0x75: {  	s0 =	simm.s32 @!p0 $0x2  }
0x76: {  	_ =	swait.ge @!p0 [sflag:s0], s1  }
0x77: {  	s1 =	ssub.s32 @!p0 $0x0, s1;
	[sflag:s0] =	ssyncset.done @!p0 $0x0  }
0x78: {  	[sflag:s0] =	ssyncadd.s32 @!p0 s1  }
0x79: {  	[bflag:$0x3] =	sbarrier.arrive $0xFFFF  }
0x7a: {  	_ =	shalt  }

</sc_bundles>
